<compile_context>
chip_gen: v7x
topology: tpu7x:2x2x1
jax: 0.10.2.dev20260603
libtpu: 0.0.44.dev20260713+nightly
codegen_flags: <defaults>
</compile_context>

<pallas_src>
import functools

import jax
import jax.numpy as jnp
from jax import lax
from jax.experimental import pallas as pl
from jax.experimental.pallas import tpu as pltpu
from jax.experimental.pallas import tpu_sc as plsc

_T = 1.0
_NG = 2001
_NGP = 2008
_D = 8
_NC, _NS, _L = 2, 16, 16
_NW = _NC * _NS
_CH = 1024


def _dyn_gather(v, idx):
    dn = lax.GatherDimensionNumbers(
        offset_dims=(), collapsed_slice_dims=(0,), start_index_map=(0,))
    return lax.gather(v, idx[:, None], dn, (1,),
                      mode=lax.GatherScatterMode.PROMISE_IN_BOUNDS)


def _sc_body(rows_per_w, x_hbm, t_hbm, p_hbm, out_hbm, p_v, x_v, o_v, t_v):
    wid = lax.axis_index("s") * _NC + lax.axis_index("c")
    pltpu.sync_copy(p_hbm, p_v)

    lane = lax.iota(jnp.int32, _L)
    dlane = lane & 7
    half = lane >> 3

    def chunk_body(c, carry):
        row0 = wid * rows_per_w + c * _CH
        pltpu.sync_copy(x_hbm.at[pl.ds(row0 * _D, _CH * _D)], x_v)
        pltpu.sync_copy(t_hbm.at[pl.ds(row0, _CH)], t_v)

        def blk(k, carry2):
            t16 = t_v[pl.ds(k * _L, _L)]
            f = 2000.0 - t16 * 2000.0
            ji = jnp.clip(f.astype(jnp.int32), 0, _NG - 2)
            w16 = f - ji.astype(jnp.float32)
            for p in range(8):
                pair = half + 2 * p
                jv = _dyn_gather(ji, pair)
                wv = _dyn_gather(w16, pair)
                gb = jv * 16 + dlane
                a0 = plsc.load_gather(p_v, [gb])
                a1 = plsc.load_gather(p_v, [gb + 16])
                b0 = plsc.load_gather(p_v, [gb + 8])
                b1 = plsc.load_gather(p_v, [gb + 24])
                off = k * (_L * 8) + p * _L
                xv = x_v[pl.ds(off, _L)]
                u = (a0 + wv * (a1 - a0)) * xv + (b0 + wv * (b1 - b0))
                o_v[pl.ds(off, _L)] = u
            return carry2

        lax.fori_loop(0, _CH // _L, blk, 0)
        pltpu.sync_copy(o_v, out_hbm.at[pl.ds(row0 * _D, _CH * _D)])
        return carry

    lax.fori_loop(0, rows_per_w // _CH, chunk_body, 0)


def kernel(X, TmT, R_diag, Q_diag, x_tar, grid, psi_tab):
    B = X.shape[0]
    sqrtQR = jnp.sqrt(Q_diag / R_diag)
    S = sqrtQR * jnp.tanh(sqrtQR * (_T - grid)[:, None])
    price = 10.0 + 2.0 * jnp.sin(2.0 * jnp.pi * grid)
    A = -S
    C = S * x_tar + (price[:, None] - psi_tab) / R_diag
    P = jnp.concatenate([A, C], axis=1)
    P = jnp.concatenate([P, jnp.zeros((_NGP - _NG, 16), jnp.float32)], axis=0)
    P = P.reshape(-1)

    rows_per_w = B // _NW
    mesh = plsc.VectorSubcoreMesh(core_axis_name="c", subcore_axis_name="s",
                                  num_cores=_NC, num_subcores=_NS)
    call = pl.kernel(
        functools.partial(_sc_body, rows_per_w),
        out_type=jax.ShapeDtypeStruct((B * _D,), jnp.float32),
        mesh=mesh,
        compiler_params=pltpu.CompilerParams(needs_layout_passes=False),
        scratch_types=[
            pltpu.VMEM((_NGP * 16,), jnp.float32),
            pltpu.VMEM((_CH * _D,), jnp.float32),
            pltpu.VMEM((_CH * _D,), jnp.float32),
            pltpu.VMEM((_CH,), jnp.float32),
        ],
    )
    out = call(X.reshape(-1), TmT.reshape(-1), P)
    return out.reshape(B, _D)

# --- scband reference (transcript-rebuilt; emitter-appended) ---
"""Pipeline reference for scband-closed-form-policy-9199819948287 (READ-ONLY COPY).

The authoritative reference and input builder live on the scoring server;
editing this copy changes nothing except your own understanding.
"""

import jax, jax.numpy as jnp
import numpy as np

T = 1.0
D = 8
N_GRID = 2001

def price_fn_np(t):
    return 10.0 + 2.0 * np.sin(2.0 * np.pi * t)

def price_fn(t):
    return 10.0 + 2.0 * jnp.sin(2.0 * jnp.pi * t)

def setup_inputs(seed: int = 0) -> dict:
    key = jax.random.key(seed)
    k1, k2 = jax.random.split(key)
    B = 1048576
    X = jax.random.normal(k1, (B, D), dtype=jnp.float32)
    TmT = jax.random.uniform(k2, (B, 1), dtype=jnp.float32) * T
    R = (0.5 + 0.1 * np.arange(D)).astype(np.float64)
    Q = (1.0 + 0.2 * np.arange(D)).astype(np.float64)
    x_tar = (0.3 * np.ones(D)).astype(np.float64)
    grid = np.linspace(0.0, T, N_GRID).astype(np.float64)
    price_grid = price_fn_np(grid)
    sqrtQR = np.sqrt(Q / R)
    tau = (T - grid)[:, None]
    S_over_R_grid = sqrtQR[None, :] * np.tanh(sqrtQR[None, :] * tau)
    psi = np.zeros((N_GRID, D), dtype=np.float64)
    dt = np.diff(grid)
    for j in range(N_GRID - 2, -1, -1):
        rhs = -Q * x_tar + S_over_R_grid[j + 1] * (psi[j + 1] - price_grid[j + 1])
        psi[j] = psi[j + 1] - rhs * dt[j]
    return {
        'X': X,
        'TmT': TmT,
        'R_diag': jnp.asarray(R, dtype=jnp.float32).reshape(1, -1),
        'Q_diag': jnp.asarray(Q, dtype=jnp.float32).reshape(1, -1),
        'x_tar': jnp.asarray(x_tar, dtype=jnp.float32).reshape(1, -1),
        'grid': jnp.asarray(grid, dtype=jnp.float32),
        'psi_tab': jnp.asarray(psi, dtype=jnp.float32),
    }

def reference(X, TmT, R_diag, Q_diag, x_tar, grid, psi_tab):
    t = T - TmT
    price = price_fn(t)
    sqrt_Q_over_R = jnp.sqrt(Q_diag / R_diag)
    S_over_R = sqrt_Q_over_R * jnp.tanh(sqrt_Q_over_R * TmT)
    t_flat = t.reshape(-1)
    idx = jnp.searchsorted(grid, t_flat, side='right')
    idx = jnp.clip(idx, 1, N_GRID - 1)
    t0 = grid[idx - 1]
    t1 = grid[idx]
    w = ((t_flat - t0) / (t1 - t0 + 1e-12)).reshape(-1, 1)
    psi0 = psi_tab[idx - 1]
    psi1 = psi_tab[idx]
    psi_t = (1.0 - w) * psi0 + w * psi1
    u = -S_over_R * (X - x_tar) - psi_t / R_diag + price / R_diag
    return u

if __name__ == "__main__":
    import jax
    _d = setup_inputs()
    print(jax.jit(kernel)(*tuple(_d.values())))

</pallas_src>

<mosaic_0001>
#map = affine_map<(d0, d1) -> (0)>
module attributes {stable_mosaic.version = 14 : i64} {
  func.func @_sc_body(%arg0: i32, %arg1: i32, %arg2: memref<8388608xf32, #tpu.memory_space<hbm>>, %arg3: memref<1048576xf32, #tpu.memory_space<hbm>>, %arg4: memref<32128xf32, #tpu.memory_space<hbm>>, %arg5: memref<8388608xf32, #tpu.memory_space<hbm>>, %arg6: memref<32128xf32, #tpu.memory_space<vmem>>, %arg7: memref<8192xf32, #tpu.memory_space<vmem>>, %arg8: memref<8192xf32, #tpu.memory_space<vmem>>, %arg9: memref<1024xf32, #tpu.memory_space<vmem>>) attributes {dimension_semantics = [#tpu.dimension_semantics<core_parallel>, #tpu.dimension_semantics<subcore_parallel>], iteration_bounds = array<i64: 2, 16>, scalar_prefetch = 0 : i64, scratch_operands = 4 : i64, tpu.core_type = #tpu.core_type<sc_vector_subcore>, window_params = [{transform_indices = #map}, {transform_indices = #map}, {transform_indices = #map}, {transform_indices = #map}]} {
    %mul3A = arith.constant 2 : i32
    %mul3A_0 = arith.muli %arg1, %mul3A : i32
    %add3A = arith.addi %mul3A_0, %arg0 : i32
    "tpu.region"() ({
      %run_scoped3A = tpu.sem_alloc : memref<!tpu.dma_semaphore, #tpu.memory_space<semaphore_mem>>
      tpu.enqueue_dma source(%arg4 : memref<32128xf32, #tpu.memory_space<hbm>>) target(%arg6 : memref<32128xf32, #tpu.memory_space<vmem>>) target_semaphore(%run_scoped3A : memref<!tpu.dma_semaphore, #tpu.memory_space<semaphore_mem>>)
      tpu.wait_dma2 semaphore(%run_scoped3A : memref<!tpu.dma_semaphore, #tpu.memory_space<semaphore_mem>>) src(%arg4 : memref<32128xf32, #tpu.memory_space<hbm>>) dst(%arg6 : memref<32128xf32, #tpu.memory_space<vmem>>)
      tpu.yield
    }) : () -> ()
    %iota3A = tpu.iota {dimensions = array<i32: 0>} : vector<16xi32>
    %and3A = arith.constant 7 : i32
    %and3A_1 = vector.broadcast %and3A : i32 to vector<16xi32>
    %and3A_2 = arith.andi %iota3A, %and3A_1 : vector<16xi32>
    %shift_right_arithmetic3A = arith.constant 3 : i32
    %shift_right_arithmetic3A_3 = vector.broadcast %shift_right_arithmetic3A : i32 to vector<16xi32>
    %shift_right_arithmetic3A_4 = arith.shrsi %iota3A, %shift_right_arithmetic3A_3 : vector<16xi32>
    %scan3A = arith.constant 0 : i32
    %scan3A_5 = arith.constant 0 : i32
    %scan3A_6 = arith.constant 32 : i32
    %scan3A_7 = arith.addi %scan3A_5, %scan3A_6 : i32
    %scan3A_8 = arith.constant 1 : i32
    scf.for %scan3A_10 = %scan3A_5 to %scan3A_7 step %scan3A_8  : i32 {
      %mul3A_11 = arith.constant 32768 : i32
      %mul3A_12 = arith.muli %add3A, %mul3A_11 : i32
      %mul3A_13 = arith.constant 1024 : i32
      %mul3A_14 = arith.muli %scan3A_10, %mul3A_13 : i32
      %add3A_15 = arith.addi %mul3A_12, %mul3A_14 : i32
      %mul3A_16 = arith.constant 8 : i32
      %mul3A_17 = arith.muli %add3A_15, %mul3A_16 : i32
      "tpu.region"() ({
        %run_scoped3A = tpu.sem_alloc : memref<!tpu.dma_semaphore, #tpu.memory_space<semaphore_mem>>
        %dma_start3A = tpu.memref_slice %arg2[%mul3A_17] : memref<8388608xf32, #tpu.memory_space<hbm>> -> memref<8192xf32, #tpu.memory_space<hbm>>
        %dma_start3A_26 = tpu.memref_slice %arg2[%mul3A_17] : memref<8388608xf32, #tpu.memory_space<hbm>> -> memref<8192xf32, #tpu.memory_space<hbm>>
        tpu.enqueue_dma source(%dma_start3A_26 : memref<8192xf32, #tpu.memory_space<hbm>>) target(%arg7 : memref<8192xf32, #tpu.memory_space<vmem>>) target_semaphore(%run_scoped3A : memref<!tpu.dma_semaphore, #tpu.memory_space<semaphore_mem>>)
        %dma_wait3A = tpu.memref_slice %arg2[%mul3A_17] : memref<8388608xf32, #tpu.memory_space<hbm>> -> memref<8192xf32, #tpu.memory_space<hbm>>
        %dma_wait3A_27 = tpu.memref_slice %arg2[%mul3A_17] : memref<8388608xf32, #tpu.memory_space<hbm>> -> memref<8192xf32, #tpu.memory_space<hbm>>
        tpu.wait_dma2 semaphore(%run_scoped3A : memref<!tpu.dma_semaphore, #tpu.memory_space<semaphore_mem>>) src(%dma_wait3A_27 : memref<8192xf32, #tpu.memory_space<hbm>>) dst(%arg7 : memref<8192xf32, #tpu.memory_space<vmem>>)
        tpu.yield
      }) : () -> ()
      "tpu.region"() ({
        %run_scoped3A = tpu.sem_alloc : memref<!tpu.dma_semaphore, #tpu.memory_space<semaphore_mem>>
        %dma_start3A = tpu.memref_slice %arg3[%add3A_15] : memref<1048576xf32, #tpu.memory_space<hbm>> -> memref<1024xf32, #tpu.memory_space<hbm>>
        %dma_start3A_26 = tpu.memref_slice %arg3[%add3A_15] : memref<1048576xf32, #tpu.memory_space<hbm>> -> memref<1024xf32, #tpu.memory_space<hbm>>
        tpu.enqueue_dma source(%dma_start3A_26 : memref<1024xf32, #tpu.memory_space<hbm>>) target(%arg9 : memref<1024xf32, #tpu.memory_space<vmem>>) target_semaphore(%run_scoped3A : memref<!tpu.dma_semaphore, #tpu.memory_space<semaphore_mem>>)
        %dma_wait3A = tpu.memref_slice %arg3[%add3A_15] : memref<1048576xf32, #tpu.memory_space<hbm>> -> memref<1024xf32, #tpu.memory_space<hbm>>
        %dma_wait3A_27 = tpu.memref_slice %arg3[%add3A_15] : memref<1048576xf32, #tpu.memory_space<hbm>> -> memref<1024xf32, #tpu.memory_space<hbm>>
        tpu.wait_dma2 semaphore(%run_scoped3A : memref<!tpu.dma_semaphore, #tpu.memory_space<semaphore_mem>>) src(%dma_wait3A_27 : memref<1024xf32, #tpu.memory_space<hbm>>) dst(%arg9 : memref<1024xf32, #tpu.memory_space<vmem>>)
        tpu.yield
      }) : () -> ()
      %scan3A_18 = arith.constant 0 : i32
      %scan3A_19 = arith.constant 0 : i32
      %scan3A_20 = arith.constant 64 : i32
      %scan3A_21 = arith.addi %scan3A_19, %scan3A_20 : i32
      %scan3A_22 = arith.constant 1 : i32
      scf.for %scan3A_26 = %scan3A_19 to %scan3A_21 step %scan3A_22  : i32 {
        %mul3A_27 = arith.constant 16 : i32
        %mul3A_28 = arith.muli %scan3A_26, %mul3A_27 : i32
        %get3A = arith.index_cast %mul3A_28 : i32 to index
        %get3A_29 = tpu.vector_load %arg9[%get3A] {strides = array<i32>} : memref<1024xf32, #tpu.memory_space<vmem>>, vector<16xf32>,
        %mul3A_30 = arith.constant 2.000000e+03 : f32
        %mul3A_31 = vector.broadcast %mul3A_30 : f32 to vector<16xf32>
        %mul3A_32 = arith.mulf %get3A_29, %mul3A_31 : vector<16xf32>
        %sub3A = arith.constant 2.000000e+03 : f32
        %sub3A_33 = vector.broadcast %sub3A : f32 to vector<16xf32>
        %sub3A_34 = arith.subf %sub3A_33, %mul3A_32 : vector<16xf32>
        %convert_element_type3A = arith.fptosi %sub3A_34 : vector<16xf32> to vector<16xi32>
        %jit3A = arith.constant 0 : i32
        %jit3A_35 = arith.constant 1999 : i32
        %max3A = vector.broadcast %jit3A : i32 to vector<16xi32>
        %max3A_36 = arith.maxsi %max3A, %convert_element_type3A : vector<16xi32>
        %min3A = vector.broadcast %jit3A_35 : i32 to vector<16xi32>
        %min3A_37 = arith.minsi %min3A, %max3A_36 : vector<16xi32>
        %convert_element_type3A_38 = arith.sitofp %min3A_37 : vector<16xi32> to vector<16xf32>
        %sub3A_39 = arith.subf %sub3A_34, %convert_element_type3A_38 : vector<16xf32>
        %add3A_40 = arith.constant 0 : i32
        %add3A_41 = vector.broadcast %add3A_40 : i32 to vector<16xi32>
        %add3A_42 = arith.addi %shift_right_arithmetic3A_4, %add3A_41 : vector<16xi32>
        %broadcast_in_dim3A = vector.shape_cast %add3A_42 : vector<16xi32> to vector<16x1xi32>
        %gather3A = vector.shape_cast %broadcast_in_dim3A : vector<16x1xi32> to vector<16xi32>
        %gather3A_43 = tpu.dynamic_gather %min3A_37[%gather3A] in [0] : vector<16xi32>, vector<16xi32> -> vector<16xi32>
        %broadcast_in_dim3A_44 = vector.shape_cast %add3A_42 : vector<16xi32> to vector<16x1xi32>
        %gather3A_45 = vector.shape_cast %broadcast_in_dim3A_44 : vector<16x1xi32> to vector<16xi32>
        %gather3A_46 = tpu.dynamic_gather %sub3A_39[%gather3A_45] in [0] : vector<16xf32>, vector<16xi32> -> vector<16xf32>
        %mul3A_47 = arith.constant 16 : i32
        %mul3A_48 = vector.broadcast %mul3A_47 : i32 to vector<16xi32>
        %mul3A_49 = arith.muli %gather3A_43, %mul3A_48 : vector<16xi32>
        %add3A_50 = arith.addi %mul3A_49, %and3A_2 : vector<16xi32>
        %gather3A_51 = tpu.vector_load_idx %arg6[%add3A_50] : memref<32128xf32, #tpu.memory_space<vmem>>[vector<16xi32>], vector<16xf32>,
        %add3A_52 = arith.constant 16 : i32
        %add3A_53 = vector.broadcast %add3A_52 : i32 to vector<16xi32>
        %add3A_54 = arith.addi %add3A_50, %add3A_53 : vector<16xi32>
        %gather3A_55 = tpu.vector_load_idx %arg6[%add3A_54] : memref<32128xf32, #tpu.memory_space<vmem>>[vector<16xi32>], vector<16xf32>,
        %add3A_56 = arith.constant 8 : i32
        %add3A_57 = vector.broadcast %add3A_56 : i32 to vector<16xi32>
        %add3A_58 = arith.addi %add3A_50, %add3A_57 : vector<16xi32>
        %gather3A_59 = tpu.vector_load_idx %arg6[%add3A_58] : memref<32128xf32, #tpu.memory_space<vmem>>[vector<16xi32>], vector<16xf32>,
        %add3A_60 = arith.constant 24 : i32
        %add3A_61 = vector.broadcast %add3A_60 : i32 to vector<16xi32>
        %add3A_62 = arith.addi %add3A_50, %add3A_61 : vector<16xi32>
        %gather3A_63 = tpu.vector_load_idx %arg6[%add3A_62] : memref<32128xf32, #tpu.memory_space<vmem>>[vector<16xi32>], vector<16xf32>,
        %mul3A_64 = arith.constant 128 : i32
        %mul3A_65 = arith.muli %scan3A_26, %mul3A_64 : i32
        %add3A_66 = arith.constant 0 : i32
        %add3A_67 = arith.addi %mul3A_65, %add3A_66 : i32
        %get3A_68 = arith.index_cast %add3A_67 : i32 to index
        %get3A_69 = tpu.vector_load %arg7[%get3A_68] {strides = array<i32>} : memref<8192xf32, #tpu.memory_space<vmem>>, vector<16xf32>,
        %sub3A_70 = arith.subf %gather3A_55, %gather3A_51 : vector<16xf32>
        %mul3A_71 = arith.mulf %gather3A_46, %sub3A_70 : vector<16xf32>
        %add3A_72 = arith.addf %gather3A_51, %mul3A_71 : vector<16xf32>
        %mul3A_73 = arith.mulf %add3A_72, %get3A_69 : vector<16xf32>
        %sub3A_74 = arith.subf %gather3A_63, %gather3A_59 : vector<16xf32>
        %mul3A_75 = arith.mulf %gather3A_46, %sub3A_74 : vector<16xf32>
        %add3A_76 = arith.addf %gather3A_59, %mul3A_75 : vector<16xf32>
        %add3A_77 = arith.addf %mul3A_73, %add3A_76 : vector<16xf32>
        %swap3A = arith.index_cast %add3A_67 : i32 to index
        %swap3A_78 = tpu.vector_load %arg8[%swap3A] {strides = array<i32>} : memref<8192xf32, #tpu.memory_space<vmem>>, vector<16xf32>,
        tpu.vector_store %arg8[%swap3A], %add3A_77 {strides = array<i32>} : memref<8192xf32, #tpu.memory_space<vmem>>, vector<16xf32>,
        %add3A_79 = arith.constant 2 : i32
        %add3A_80 = vector.broadcast %add3A_79 : i32 to vector<16xi32>
        %add3A_81 = arith.addi %shift_right_arithmetic3A_4, %add3A_80 : vector<16xi32>
        %broadcast_in_dim3A_82 = vector.shape_cast %add3A_81 : vector<16xi32> to vector<16x1xi32>
        %gather3A_83 = vector.shape_cast %broadcast_in_dim3A_82 : vector<16x1xi32> to vector<16xi32>
        %gather3A_84 = tpu.dynamic_gather %min3A_37[%gather3A_83] in [0] : vector<16xi32>, vector<16xi32> -> vector<16xi32>
        %broadcast_in_dim3A_85 = vector.shape_cast %add3A_81 : vector<16xi32> to vector<16x1xi32>
        %gather3A_86 = vector.shape_cast %broadcast_in_dim3A_85 : vector<16x1xi32> to vector<16xi32>
        %gather3A_87 = tpu.dynamic_gather %sub3A_39[%gather3A_86] in [0] : vector<16xf32>, vector<16xi32> -> vector<16xf32>
        %mul3A_88 = arith.constant 16 : i32
        %mul3A_89 = vector.broadcast %mul3A_88 : i32 to vector<16xi32>
        %mul3A_90 = arith.muli %gather3A_84, %mul3A_89 : vector<16xi32>
        %add3A_91 = arith.addi %mul3A_90, %and3A_2 : vector<16xi32>
        %gather3A_92 = tpu.vector_load_idx %arg6[%add3A_91] : memref<32128xf32, #tpu.memory_space<vmem>>[vector<16xi32>], vector<16xf32>,
        %add3A_93 = arith.constant 16 : i32
        %add3A_94 = vector.broadcast %add3A_93 : i32 to vector<16xi32>
        %add3A_95 = arith.addi %add3A_91, %add3A_94 : vector<16xi32>
        %gather3A_96 = tpu.vector_load_idx %arg6[%add3A_95] : memref<32128xf32, #tpu.memory_space<vmem>>[vector<16xi32>], vector<16xf32>,
        %add3A_97 = arith.constant 8 : i32
        %add3A_98 = vector.broadcast %add3A_97 : i32 to vector<16xi32>
        %add3A_99 = arith.addi %add3A_91, %add3A_98 : vector<16xi32>
        %gather3A_100 = tpu.vector_load_idx %arg6[%add3A_99] : memref<32128xf32, #tpu.memory_space<vmem>>[vector<16xi32>], vector<16xf32>,
        %add3A_101 = arith.constant 24 : i32
        %add3A_102 = vector.broadcast %add3A_101 : i32 to vector<16xi32>
        %add3A_103 = arith.addi %add3A_91, %add3A_102 : vector<16xi32>
        %gather3A_104 = tpu.vector_load_idx %arg6[%add3A_103] : memref<32128xf32, #tpu.memory_space<vmem>>[vector<16xi32>], vector<16xf32>,
        %mul3A_105 = arith.constant 128 : i32
        %mul3A_106 = arith.muli %scan3A_26, %mul3A_105 : i32
        %add3A_107 = arith.constant 16 : i32
        %add3A_108 = arith.addi %mul3A_106, %add3A_107 : i32
        %get3A_109 = arith.index_cast %add3A_108 : i32 to index
        %get3A_110 = tpu.vector_load %arg7[%get3A_109] {strides = array<i32>} : memref<8192xf32, #tpu.memory_space<vmem>>, vector<16xf32>,
        %sub3A_111 = arith.subf %gather3A_96, %gather3A_92 : vector<16xf32>
        %mul3A_112 = arith.mulf %gather3A_87, %sub3A_111 : vector<16xf32>
        %add3A_113 = arith.addf %gather3A_92, %mul3A_112 : vector<16xf32>
        %mul3A_114 = arith.mulf %add3A_113, %get3A_110 : vector<16xf32>
        %sub3A_115 = arith.subf %gather3A_104, %gather3A_100 : vector<16xf32>
        %mul3A_116 = arith.mulf %gather3A_87, %sub3A_115 : vector<16xf32>
        %add3A_117 = arith.addf %gather3A_100, %mul3A_116 : vector<16xf32>
        %add3A_118 = arith.addf %mul3A_114, %add3A_117 : vector<16xf32>
        %swap3A_119 = arith.index_cast %add3A_108 : i32 to index
        %swap3A_120 = tpu.vector_load %arg8[%swap3A_119] {strides = array<i32>} : memref<8192xf32, #tpu.memory_space<vmem>>, vector<16xf32>,
        tpu.vector_store %arg8[%swap3A_119], %add3A_118 {strides = array<i32>} : memref<8192xf32, #tpu.memory_space<vmem>>, vector<16xf32>,
        %add3A_121 = arith.constant 4 : i32
        %add3A_122 = vector.broadcast %add3A_121 : i32 to vector<16xi32>
        %add3A_123 = arith.addi %shift_right_arithmetic3A_4, %add3A_122 : vector<16xi32>
        %broadcast_in_dim3A_124 = vector.shape_cast %add3A_123 : vector<16xi32> to vector<16x1xi32>
        %gather3A_125 = vector.shape_cast %broadcast_in_dim3A_124 : vector<16x1xi32> to vector<16xi32>
        %gather3A_126 = tpu.dynamic_gather %min3A_37[%gather3A_125] in [0] : vector<16xi32>, vector<16xi32> -> vector<16xi32>
        %broadcast_in_dim3A_127 = vector.shape_cast %add3A_123 : vector<16xi32> to vector<16x1xi32>
        %gather3A_128 = vector.shape_cast %broadcast_in_dim3A_127 : vector<16x1xi32> to vector<16xi32>
        %gather3A_129 = tpu.dynamic_gather %sub3A_39[%gather3A_128] in [0] : vector<16xf32>, vector<16xi32> -> vector<16xf32>
        %mul3A_130 = arith.constant 16 : i32
        %mul3A_131 = vector.broadcast %mul3A_130 : i32 to vector<16xi32>
        %mul3A_132 = arith.muli %gather3A_126, %mul3A_131 : vector<16xi32>
        %add3A_133 = arith.addi %mul3A_132, %and3A_2 : vector<16xi32>
        %gather3A_134 = tpu.vector_load_idx %arg6[%add3A_133] : memref<32128xf32, #tpu.memory_space<vmem>>[vector<16xi32>], vector<16xf32>,
        %add3A_135 = arith.constant 16 : i32
        %add3A_136 = vector.broadcast %add3A_135 : i32 to vector<16xi32>
        %add3A_137 = arith.addi %add3A_133, %add3A_136 : vector<16xi32>
        %gather3A_138 = tpu.vector_load_idx %arg6[%add3A_137] : memref<32128xf32, #tpu.memory_space<vmem>>[vector<16xi32>], vector<16xf32>,
        %add3A_139 = arith.constant 8 : i32
        %add3A_140 = vector.broadcast %add3A_139 : i32 to vector<16xi32>
        %add3A_141 = arith.addi %add3A_133, %add3A_140 : vector<16xi32>
        %gather3A_142 = tpu.vector_load_idx %arg6[%add3A_141] : memref<32128xf32, #tpu.memory_space<vmem>>[vector<16xi32>], vector<16xf32>,
        %add3A_143 = arith.constant 24 : i32
        %add3A_144 = vector.broadcast %add3A_143 : i32 to vector<16xi32>
        %add3A_145 = arith.addi %add3A_133, %add3A_144 : vector<16xi32>
        %gather3A_146 = tpu.vector_load_idx %arg6[%add3A_145] : memref<32128xf32, #tpu.memory_space<vmem>>[vector<16xi32>], vector<16xf32>,
        %mul3A_147 = arith.constant 128 : i32
        %mul3A_148 = arith.muli %scan3A_26, %mul3A_147 : i32
        %add3A_149 = arith.constant 32 : i32
        %add3A_150 = arith.addi %mul3A_148, %add3A_149 : i32
        %get3A_151 = arith.index_cast %add3A_150 : i32 to index
        %get3A_152 = tpu.vector_load %arg7[%get3A_151] {strides = array<i32>} : memref<8192xf32, #tpu.memory_space<vmem>>, vector<16xf32>,
        %sub3A_153 = arith.subf %gather3A_138, %gather3A_134 : vector<16xf32>
        %mul3A_154 = arith.mulf %gather3A_129, %sub3A_153 : vector<16xf32>
        %add3A_155 = arith.addf %gather3A_134, %mul3A_154 : vector<16xf32>
        %mul3A_156 = arith.mulf %add3A_155, %get3A_152 : vector<16xf32>
        %sub3A_157 = arith.subf %gather3A_146, %gather3A_142 : vector<16xf32>
        %mul3A_158 = arith.mulf %gather3A_129, %sub3A_157 : vector<16xf32>
        %add3A_159 = arith.addf %gather3A_142, %mul3A_158 : vector<16xf32>
        %add3A_160 = arith.addf %mul3A_156, %add3A_159 : vector<16xf32>
        %swap3A_161 = arith.index_cast %add3A_150 : i32 to index
        %swap3A_162 = tpu.vector_load %arg8[%swap3A_161] {strides = array<i32>} : memref<8192xf32, #tpu.memory_space<vmem>>, vector<16xf32>,
        tpu.vector_store %arg8[%swap3A_161], %add3A_160 {strides = array<i32>} : memref<8192xf32, #tpu.memory_space<vmem>>, vector<16xf32>,
        %add3A_163 = arith.constant 6 : i32
        %add3A_164 = vector.broadcast %add3A_163 : i32 to vector<16xi32>
        %add3A_165 = arith.addi %shift_right_arithmetic3A_4, %add3A_164 : vector<16xi32>
        %broadcast_in_dim3A_166 = vector.shape_cast %add3A_165 : vector<16xi32> to vector<16x1xi32>
        %gather3A_167 = vector.shape_cast %broadcast_in_dim3A_166 : vector<16x1xi32> to vector<16xi32>
        %gather3A_168 = tpu.dynamic_gather %min3A_37[%gather3A_167] in [0] : vector<16xi32>, vector<16xi32> -> vector<16xi32>
        %broadcast_in_dim3A_169 = vector.shape_cast %add3A_165 : vector<16xi32> to vector<16x1xi32>
        %gather3A_170 = vector.shape_cast %broadcast_in_dim3A_169 : vector<16x1xi32> to vector<16xi32>
        %gather3A_171 = tpu.dynamic_gather %sub3A_39[%gather3A_170] in [0] : vector<16xf32>, vector<16xi32> -> vector<16xf32>
        %mul3A_172 = arith.constant 16 : i32
        %mul3A_173 = vector.broadcast %mul3A_172 : i32 to vector<16xi32>
        %mul3A_174 = arith.muli %gather3A_168, %mul3A_173 : vector<16xi32>
        %add3A_175 = arith.addi %mul3A_174, %and3A_2 : vector<16xi32>
        %gather3A_176 = tpu.vector_load_idx %arg6[%add3A_175] : memref<32128xf32, #tpu.memory_space<vmem>>[vector<16xi32>], vector<16xf32>,
        %add3A_177 = arith.constant 16 : i32
        %add3A_178 = vector.broadcast %add3A_177 : i32 to vector<16xi32>
        %add3A_179 = arith.addi %add3A_175, %add3A_178 : vector<16xi32>
        %gather3A_180 = tpu.vector_load_idx %arg6[%add3A_179] : memref<32128xf32, #tpu.memory_space<vmem>>[vector<16xi32>], vector<16xf32>,
        %add3A_181 = arith.constant 8 : i32
        %add3A_182 = vector.broadcast %add3A_181 : i32 to vector<16xi32>
        %add3A_183 = arith.addi %add3A_175, %add3A_182 : vector<16xi32>
        %gather3A_184 = tpu.vector_load_idx %arg6[%add3A_183] : memref<32128xf32, #tpu.memory_space<vmem>>[vector<16xi32>], vector<16xf32>,
        %add3A_185 = arith.constant 24 : i32
        %add3A_186 = vector.broadcast %add3A_185 : i32 to vector<16xi32>
        %add3A_187 = arith.addi %add3A_175, %add3A_186 : vector<16xi32>
        %gather3A_188 = tpu.vector_load_idx %arg6[%add3A_187] : memref<32128xf32, #tpu.memory_space<vmem>>[vector<16xi32>], vector<16xf32>,
        %mul3A_189 = arith.constant 128 : i32
        %mul3A_190 = arith.muli %scan3A_26, %mul3A_189 : i32
        %add3A_191 = arith.constant 48 : i32
        %add3A_192 = arith.addi %mul3A_190, %add3A_191 : i32
        %get3A_193 = arith.index_cast %add3A_192 : i32 to index
        %get3A_194 = tpu.vector_load %arg7[%get3A_193] {strides = array<i32>} : memref<8192xf32, #tpu.memory_space<vmem>>, vector<16xf32>,
        %sub3A_195 = arith.subf %gather3A_180, %gather3A_176 : vector<16xf32>
        %mul3A_196 = arith.mulf %gather3A_171, %sub3A_195 : vector<16xf32>
        %add3A_197 = arith.addf %gather3A_176, %mul3A_196 : vector<16xf32>
        %mul3A_198 = arith.mulf %add3A_197, %get3A_194 : vector<16xf32>
        %sub3A_199 = arith.subf %gather3A_188, %gather3A_184 : vector<16xf32>
        %mul3A_200 = arith.mulf %gather3A_171, %sub3A_199 : vector<16xf32>
        %add3A_201 = arith.addf %gather3A_184, %mul3A_200 : vector<16xf32>
        %add3A_202 = arith.addf %mul3A_198, %add3A_201 : vector<16xf32>
        %swap3A_203 = arith.index_cast %add3A_192 : i32 to index
        %swap3A_204 = tpu.vector_load %arg8[%swap3A_203] {strides = array<i32>} : memref<8192xf32, #tpu.memory_space<vmem>>, vector<16xf32>,
        tpu.vector_store %arg8[%swap3A_203], %add3A_202 {strides = array<i32>} : memref<8192xf32, #tpu.memory_space<vmem>>, vector<16xf32>,
        %add3A_205 = arith.constant 8 : i32
        %add3A_206 = vector.broadcast %add3A_205 : i32 to vector<16xi32>
        %add3A_207 = arith.addi %shift_right_arithmetic3A_4, %add3A_206 : vector<16xi32>
        %broadcast_in_dim3A_208 = vector.shape_cast %add3A_207 : vector<16xi32> to vector<16x1xi32>
        %gather3A_209 = vector.shape_cast %broadcast_in_dim3A_208 : vector<16x1xi32> to vector<16xi32>
        %gather3A_210 = tpu.dynamic_gather %min3A_37[%gather3A_209] in [0] : vector<16xi32>, vector<16xi32> -> vector<16xi32>
        %broadcast_in_dim3A_211 = vector.shape_cast %add3A_207 : vector<16xi32> to vector<16x1xi32>
        %gather3A_212 = vector.shape_cast %broadcast_in_dim3A_211 : vector<16x1xi32> to vector<16xi32>
        %gather3A_213 = tpu.dynamic_gather %sub3A_39[%gather3A_212] in [0] : vector<16xf32>, vector<16xi32> -> vector<16xf32>
        %mul3A_214 = arith.constant 16 : i32
        %mul3A_215 = vector.broadcast %mul3A_214 : i32 to vector<16xi32>
        %mul3A_216 = arith.muli %gather3A_210, %mul3A_215 : vector<16xi32>
        %add3A_217 = arith.addi %mul3A_216, %and3A_2 : vector<16xi32>
        %gather3A_218 = tpu.vector_load_idx %arg6[%add3A_217] : memref<32128xf32, #tpu.memory_space<vmem>>[vector<16xi32>], vector<16xf32>,
        %add3A_219 = arith.constant 16 : i32
        %add3A_220 = vector.broadcast %add3A_219 : i32 to vector<16xi32>
        %add3A_221 = arith.addi %add3A_217, %add3A_220 : vector<16xi32>
        %gather3A_222 = tpu.vector_load_idx %arg6[%add3A_221] : memref<32128xf32, #tpu.memory_space<vmem>>[vector<16xi32>], vector<16xf32>,
        %add3A_223 = arith.constant 8 : i32
        %add3A_224 = vector.broadcast %add3A_223 : i32 to vector<16xi32>
        %add3A_225 = arith.addi %add3A_217, %add3A_224 : vector<16xi32>
        %gather3A_226 = tpu.vector_load_idx %arg6[%add3A_225] : memref<32128xf32, #tpu.memory_space<vmem>>[vector<16xi32>], vector<16xf32>,
        %add3A_227 = arith.constant 24 : i32
        %add3A_228 = vector.broadcast %add3A_227 : i32 to vector<16xi32>
        %add3A_229 = arith.addi %add3A_217, %add3A_228 : vector<16xi32>
        %gather3A_230 = tpu.vector_load_idx %arg6[%add3A_229] : memref<32128xf32, #tpu.memory_space<vmem>>[vector<16xi32>], vector<16xf32>,
        %mul3A_231 = arith.constant 128 : i32
        %mul3A_232 = arith.muli %scan3A_26, %mul3A_231 : i32
        %add3A_233 = arith.constant 64 : i32
        %add3A_234 = arith.addi %mul3A_232, %add3A_233 : i32
        %get3A_235 = arith.index_cast %add3A_234 : i32 to index
        %get3A_236 = tpu.vector_load %arg7[%get3A_235] {strides = array<i32>} : memref<8192xf32, #tpu.memory_space<vmem>>, vector<16xf32>,
        %sub3A_237 = arith.subf %gather3A_222, %gather3A_218 : vector<16xf32>
        %mul3A_238 = arith.mulf %gather3A_213, %sub3A_237 : vector<16xf32>
        %add3A_239 = arith.addf %gather3A_218, %mul3A_238 : vector<16xf32>
        %mul3A_240 = arith.mulf %add3A_239, %get3A_236 : vector<16xf32>
        %sub3A_241 = arith.subf %gather3A_230, %gather3A_226 : vector<16xf32>
        %mul3A_242 = arith.mulf %gather3A_213, %sub3A_241 : vector<16xf32>
        %add3A_243 = arith.addf %gather3A_226, %mul3A_242 : vector<16xf32>
        %add3A_244 = arith.addf %mul3A_240, %add3A_243 : vector<16xf32>
        %swap3A_245 = arith.index_cast %add3A_234 : i32 to index
        %swap3A_246 = tpu.vector_load %arg8[%swap3A_245] {strides = array<i32>} : memref<8192xf32, #tpu.memory_space<vmem>>, vector<16xf32>,
        tpu.vector_store %arg8[%swap3A_245], %add3A_244 {strides = array<i32>} : memref<8192xf32, #tpu.memory_space<vmem>>, vector<16xf32>,
        %add3A_247 = arith.constant 10 : i32
        %add3A_248 = vector.broadcast %add3A_247 : i32 to vector<16xi32>
        %add3A_249 = arith.addi %shift_right_arithmetic3A_4, %add3A_248 : vector<16xi32>
        %broadcast_in_dim3A_250 = vector.shape_cast %add3A_249 : vector<16xi32> to vector<16x1xi32>
        %gather3A_251 = vector.shape_cast %broadcast_in_dim3A_250 : vector<16x1xi32> to vector<16xi32>
        %gather3A_252 = tpu.dynamic_gather %min3A_37[%gather3A_251] in [0] : vector<16xi32>, vector<16xi32> -> vector<16xi32>
        %broadcast_in_dim3A_253 = vector.shape_cast %add3A_249 : vector<16xi32> to vector<16x1xi32>
        %gather3A_254 = vector.shape_cast %broadcast_in_dim3A_253 : vector<16x1xi32> to vector<16xi32>
        %gather3A_255 = tpu.dynamic_gather %sub3A_39[%gather3A_254] in [0] : vector<16xf32>, vector<16xi32> -> vector<16xf32>
        %mul3A_256 = arith.constant 16 : i32
        %mul3A_257 = vector.broadcast %mul3A_256 : i32 to vector<16xi32>
        %mul3A_258 = arith.muli %gather3A_252, %mul3A_257 : vector<16xi32>
        %add3A_259 = arith.addi %mul3A_258, %and3A_2 : vector<16xi32>
        %gather3A_260 = tpu.vector_load_idx %arg6[%add3A_259] : memref<32128xf32, #tpu.memory_space<vmem>>[vector<16xi32>], vector<16xf32>,
        %add3A_261 = arith.constant 16 : i32
        %add3A_262 = vector.broadcast %add3A_261 : i32 to vector<16xi32>
        %add3A_263 = arith.addi %add3A_259, %add3A_262 : vector<16xi32>
        %gather3A_264 = tpu.vector_load_idx %arg6[%add3A_263] : memref<32128xf32, #tpu.memory_space<vmem>>[vector<16xi32>], vector<16xf32>,
        %add3A_265 = arith.constant 8 : i32
        %add3A_266 = vector.broadcast %add3A_265 : i32 to vector<16xi32>
        %add3A_267 = arith.addi %add3A_259, %add3A_266 : vector<16xi32>
        %gather3A_268 = tpu.vector_load_idx %arg6[%add3A_267] : memref<32128xf32, #tpu.memory_space<vmem>>[vector<16xi32>], vector<16xf32>,
        %add3A_269 = arith.constant 24 : i32
        %add3A_270 = vector.broadcast %add3A_269 : i32 to vector<16xi32>
        %add3A_271 = arith.addi %add3A_259, %add3A_270 : vector<16xi32>
        %gather3A_272 = tpu.vector_load_idx %arg6[%add3A_271] : memref<32128xf32, #tpu.memory_space<vmem>>[vector<16xi32>], vector<16xf32>,
        %mul3A_273 = arith.constant 128 : i32
        %mul3A_274 = arith.muli %scan3A_26, %mul3A_273 : i32
        %add3A_275 = arith.constant 80 : i32
        %add3A_276 = arith.addi %mul3A_274, %add3A_275 : i32
        %get3A_277 = arith.index_cast %add3A_276 : i32 to index
        %get3A_278 = tpu.vector_load %arg7[%get3A_277] {strides = array<i32>} : memref<8192xf32, #tpu.memory_space<vmem>>, vector<16xf32>,
        %sub3A_279 = arith.subf %gather3A_264, %gather3A_260 : vector<16xf32>
        %mul3A_280 = arith.mulf %gather3A_255, %sub3A_279 : vector<16xf32>
        %add3A_281 = arith.addf %gather3A_260, %mul3A_280 : vector<16xf32>
        %mul3A_282 = arith.mulf %add3A_281, %get3A_278 : vector<16xf32>
        %sub3A_283 = arith.subf %gather3A_272, %gather3A_268 : vector<16xf32>
        %mul3A_284 = arith.mulf %gather3A_255, %sub3A_283 : vector<16xf32>
        %add3A_285 = arith.addf %gather3A_268, %mul3A_284 : vector<16xf32>
        %add3A_286 = arith.addf %mul3A_282, %add3A_285 : vector<16xf32>
        %swap3A_287 = arith.index_cast %add3A_276 : i32 to index
        %swap3A_288 = tpu.vector_load %arg8[%swap3A_287] {strides = array<i32>} : memref<8192xf32, #tpu.memory_space<vmem>>, vector<16xf32>,
        tpu.vector_store %arg8[%swap3A_287], %add3A_286 {strides = array<i32>} : memref<8192xf32, #tpu.memory_space<vmem>>, vector<16xf32>,
        %add3A_289 = arith.constant 12 : i32
        %add3A_290 = vector.broadcast %add3A_289 : i32 to vector<16xi32>
        %add3A_291 = arith.addi %shift_right_arithmetic3A_4, %add3A_290 : vector<16xi32>
        %broadcast_in_dim3A_292 = vector.shape_cast %add3A_291 : vector<16xi32> to vector<16x1xi32>
        %gather3A_293 = vector.shape_cast %broadcast_in_dim3A_292 : vector<16x1xi32> to vector<16xi32>
        %gather3A_294 = tpu.dynamic_gather %min3A_37[%gather3A_293] in [0] : vector<16xi32>, vector<16xi32> -> vector<16xi32>
        %broadcast_in_dim3A_295 = vector.shape_cast %add3A_291 : vector<16xi32> to vector<16x1xi32>
        %gather3A_296 = vector.shape_cast %broadcast_in_dim3A_295 : vector<16x1xi32> to vector<16xi32>
        %gather3A_297 = tpu.dynamic_gather %sub3A_39[%gather3A_296] in [0] : vector<16xf32>, vector<16xi32> -> vector<16xf32>
        %mul3A_298 = arith.constant 16 : i32
        %mul3A_299 = vector.broadcast %mul3A_298 : i32 to vector<16xi32>
        %mul3A_300 = arith.muli %gather3A_294, %mul3A_299 : vector<16xi32>
        %add3A_301 = arith.addi %mul3A_300, %and3A_2 : vector<16xi32>
        %gather3A_302 = tpu.vector_load_idx %arg6[%add3A_301] : memref<32128xf32, #tpu.memory_space<vmem>>[vector<16xi32>], vector<16xf32>,
        %add3A_303 = arith.constant 16 : i32
        %add3A_304 = vector.broadcast %add3A_303 : i32 to vector<16xi32>
        %add3A_305 = arith.addi %add3A_301, %add3A_304 : vector<16xi32>
        %gather3A_306 = tpu.vector_load_idx %arg6[%add3A_305] : memref<32128xf32, #tpu.memory_space<vmem>>[vector<16xi32>], vector<16xf32>,
        %add3A_307 = arith.constant 8 : i32
        %add3A_308 = vector.broadcast %add3A_307 : i32 to vector<16xi32>
        %add3A_309 = arith.addi %add3A_301, %add3A_308 : vector<16xi32>
        %gather3A_310 = tpu.vector_load_idx %arg6[%add3A_309] : memref<32128xf32, #tpu.memory_space<vmem>>[vector<16xi32>], vector<16xf32>,
        %add3A_311 = arith.constant 24 : i32
        %add3A_312 = vector.broadcast %add3A_311 : i32 to vector<16xi32>
        %add3A_313 = arith.addi %add3A_301, %add3A_312 : vector<16xi32>
        %gather3A_314 = tpu.vector_load_idx %arg6[%add3A_313] : memref<32128xf32, #tpu.memory_space<vmem>>[vector<16xi32>], vector<16xf32>,
        %mul3A_315 = arith.constant 128 : i32
        %mul3A_316 = arith.muli %scan3A_26, %mul3A_315 : i32
        %add3A_317 = arith.constant 96 : i32
        %add3A_318 = arith.addi %mul3A_316, %add3A_317 : i32
        %get3A_319 = arith.index_cast %add3A_318 : i32 to index
        %get3A_320 = tpu.vector_load %arg7[%get3A_319] {strides = array<i32>} : memref<8192xf32, #tpu.memory_space<vmem>>, vector<16xf32>,
        %sub3A_321 = arith.subf %gather3A_306, %gather3A_302 : vector<16xf32>
        %mul3A_322 = arith.mulf %gather3A_297, %sub3A_321 : vector<16xf32>
        %add3A_323 = arith.addf %gather3A_302, %mul3A_322 : vector<16xf32>
        %mul3A_324 = arith.mulf %add3A_323, %get3A_320 : vector<16xf32>
        %sub3A_325 = arith.subf %gather3A_314, %gather3A_310 : vector<16xf32>
        %mul3A_326 = arith.mulf %gather3A_297, %sub3A_325 : vector<16xf32>
        %add3A_327 = arith.addf %gather3A_310, %mul3A_326 : vector<16xf32>
        %add3A_328 = arith.addf %mul3A_324, %add3A_327 : vector<16xf32>
        %swap3A_329 = arith.index_cast %add3A_318 : i32 to index
        %swap3A_330 = tpu.vector_load %arg8[%swap3A_329] {strides = array<i32>} : memref<8192xf32, #tpu.memory_space<vmem>>, vector<16xf32>,
        tpu.vector_store %arg8[%swap3A_329], %add3A_328 {strides = array<i32>} : memref<8192xf32, #tpu.memory_space<vmem>>, vector<16xf32>,
        %add3A_331 = arith.constant 14 : i32
        %add3A_332 = vector.broadcast %add3A_331 : i32 to vector<16xi32>
        %add3A_333 = arith.addi %shift_right_arithmetic3A_4, %add3A_332 : vector<16xi32>
        %broadcast_in_dim3A_334 = vector.shape_cast %add3A_333 : vector<16xi32> to vector<16x1xi32>
        %gather3A_335 = vector.shape_cast %broadcast_in_dim3A_334 : vector<16x1xi32> to vector<16xi32>
        %gather3A_336 = tpu.dynamic_gather %min3A_37[%gather3A_335] in [0] : vector<16xi32>, vector<16xi32> -> vector<16xi32>
        %broadcast_in_dim3A_337 = vector.shape_cast %add3A_333 : vector<16xi32> to vector<16x1xi32>
        %gather3A_338 = vector.shape_cast %broadcast_in_dim3A_337 : vector<16x1xi32> to vector<16xi32>
        %gather3A_339 = tpu.dynamic_gather %sub3A_39[%gather3A_338] in [0] : vector<16xf32>, vector<16xi32> -> vector<16xf32>
        %mul3A_340 = arith.constant 16 : i32
        %mul3A_341 = vector.broadcast %mul3A_340 : i32 to vector<16xi32>
        %mul3A_342 = arith.muli %gather3A_336, %mul3A_341 : vector<16xi32>
        %add3A_343 = arith.addi %mul3A_342, %and3A_2 : vector<16xi32>
        %gather3A_344 = tpu.vector_load_idx %arg6[%add3A_343] : memref<32128xf32, #tpu.memory_space<vmem>>[vector<16xi32>], vector<16xf32>,
        %add3A_345 = arith.constant 16 : i32
        %add3A_346 = vector.broadcast %add3A_345 : i32 to vector<16xi32>
        %add3A_347 = arith.addi %add3A_343, %add3A_346 : vector<16xi32>
        %gather3A_348 = tpu.vector_load_idx %arg6[%add3A_347] : memref<32128xf32, #tpu.memory_space<vmem>>[vector<16xi32>], vector<16xf32>,
        %add3A_349 = arith.constant 8 : i32
        %add3A_350 = vector.broadcast %add3A_349 : i32 to vector<16xi32>
        %add3A_351 = arith.addi %add3A_343, %add3A_350 : vector<16xi32>
        %gather3A_352 = tpu.vector_load_idx %arg6[%add3A_351] : memref<32128xf32, #tpu.memory_space<vmem>>[vector<16xi32>], vector<16xf32>,
        %add3A_353 = arith.constant 24 : i32
        %add3A_354 = vector.broadcast %add3A_353 : i32 to vector<16xi32>
        %add3A_355 = arith.addi %add3A_343, %add3A_354 : vector<16xi32>
        %gather3A_356 = tpu.vector_load_idx %arg6[%add3A_355] : memref<32128xf32, #tpu.memory_space<vmem>>[vector<16xi32>], vector<16xf32>,
        %mul3A_357 = arith.constant 128 : i32
        %mul3A_358 = arith.muli %scan3A_26, %mul3A_357 : i32
        %add3A_359 = arith.constant 112 : i32
        %add3A_360 = arith.addi %mul3A_358, %add3A_359 : i32
        %get3A_361 = arith.index_cast %add3A_360 : i32 to index
        %get3A_362 = tpu.vector_load %arg7[%get3A_361] {strides = array<i32>} : memref<8192xf32, #tpu.memory_space<vmem>>, vector<16xf32>,
        %sub3A_363 = arith.subf %gather3A_348, %gather3A_344 : vector<16xf32>
        %mul3A_364 = arith.mulf %gather3A_339, %sub3A_363 : vector<16xf32>
        %add3A_365 = arith.addf %gather3A_344, %mul3A_364 : vector<16xf32>
        %mul3A_366 = arith.mulf %add3A_365, %get3A_362 : vector<16xf32>
        %sub3A_367 = arith.subf %gather3A_356, %gather3A_352 : vector<16xf32>
        %mul3A_368 = arith.mulf %gather3A_339, %sub3A_367 : vector<16xf32>
        %add3A_369 = arith.addf %gather3A_352, %mul3A_368 : vector<16xf32>
        %add3A_370 = arith.addf %mul3A_366, %add3A_369 : vector<16xf32>
        %swap3A_371 = arith.index_cast %add3A_360 : i32 to index
        %swap3A_372 = tpu.vector_load %arg8[%swap3A_371] {strides = array<i32>} : memref<8192xf32, #tpu.memory_space<vmem>>, vector<16xf32>,
        tpu.vector_store %arg8[%swap3A_371], %add3A_370 {strides = array<i32>} : memref<8192xf32, #tpu.memory_space<vmem>>, vector<16xf32>,
      }
      %scan3A_23 = arith.constant 64 : i32
      %mul3A_24 = arith.constant 8 : i32
      %mul3A_25 = arith.muli %add3A_15, %mul3A_24 : i32
      "tpu.region"() ({
        %run_scoped3A = tpu.sem_alloc : memref<!tpu.dma_semaphore, #tpu.memory_space<semaphore_mem>>
        %dma_start3A = tpu.memref_slice %arg5[%mul3A_25] : memref<8388608xf32, #tpu.memory_space<hbm>> -> memref<8192xf32, #tpu.memory_space<hbm>>
        %dma_start3A_26 = tpu.memref_slice %arg5[%mul3A_25] : memref<8388608xf32, #tpu.memory_space<hbm>> -> memref<8192xf32, #tpu.memory_space<hbm>>
        tpu.enqueue_dma source(%arg8 : memref<8192xf32, #tpu.memory_space<vmem>>) target(%dma_start3A_26 : memref<8192xf32, #tpu.memory_space<hbm>>) target_semaphore(%run_scoped3A : memref<!tpu.dma_semaphore, #tpu.memory_space<semaphore_mem>>)
        %dma_wait3A = tpu.memref_slice %arg5[%mul3A_25] : memref<8388608xf32, #tpu.memory_space<hbm>> -> memref<8192xf32, #tpu.memory_space<hbm>>
        %dma_wait3A_27 = tpu.memref_slice %arg5[%mul3A_25] : memref<8388608xf32, #tpu.memory_space<hbm>> -> memref<8192xf32, #tpu.memory_space<hbm>>
        tpu.wait_dma2 semaphore(%run_scoped3A : memref<!tpu.dma_semaphore, #tpu.memory_space<semaphore_mem>>) src(%arg8 : memref<8192xf32, #tpu.memory_space<vmem>>) dst(%dma_wait3A_27 : memref<8192xf32, #tpu.memory_space<hbm>>)
        tpu.yield
      }) : () -> ()
    }
    %scan3A_9 = arith.constant 32 : i32
    return
  }
}

</mosaic_0001>

<sc_bundles>
// kernel: kernel.3.cloned.1.call-start
scs
__scs_entry_jumppad:
0x0: {  	(pc) =	sbr.rel $0x88, $3  }
0x1: {  	(tag) =	ssettag $0x0;
	lr =	simm.s32 $0x1  }
0x2: {  	[smem:$0x3F9A] =	sst lr;
	_ =	strace $0xD0000000  }
0x3: {  	_ = 	snop  }
0x4: {  	_ = 	snop  }
0x5: {  	_ = 	snop  }
0x6: {  	_ = 	snop  }
0x7: {  	_ = 	snop  }
__scs_overlays_trampoline_lowered:
0x8: {  	[smem:$0x3FA9] =	sst s0  }
0x9: {  	[smem:$0x3FAA] =	sst s1  }
0xa: {  	[smem:$0x3FAB] =	sst s2  }
0xb: {  	[smem:$0x3FAC] =	sst s3  }
0xc: {  	[smem:$0x3FAD] =	sst s4  }
0xd: {  	[smem:$0x3FAE] =	sst s5  }
0xe: {  	[smem:$0x3FAF] =	sst s6  }
0xf: {  	[smem:$0x3FB0] =	sst s7  }
0x10: {  	[smem:$0x3FB1] =	sst s8  }
0x11: {  	[smem:$0x3FB2] =	sst s9;
	s0 =	simm.s32 @!p0 $0x0  }
0x12: {  	s1 =	sld [smem:$0x3F98];
	s0 =	simm.s32 @p0 $0x1  }
0x13: {  	[smem:$0x3FB3] =	sst s0;
	s0 =	simm.s32 @!p1 $0x0  }
0x14: {  	s2 =	sld [smem:$0x3F97];
	s0 =	simm.s32 @p1 $0x1  }
0x15: {  	[smem:$0x3FB4] =	sst s0;
	s0 =	simm.s32 @!p2 $0x0  }
0x16: {  	s3 =	sld [smem:$0x3FDB];
	s0 =	simm.s32 @p2 $0x1  }
0x17: {  	s4 =	simm.s32 $0x1BF5;
	[smem:$0x3FB6] =	sst s0  }
0x18: {  	s0 =	sld [smem:$0x3F99];
	_ =	swait.ge [sflag:s4], $0x0  }
0x19: {  	s7 =	sld [smem:$0x3F9A]  }
0x1a: {  	s8 =	sadd.s32 $0xFFFFE003, lr  }
0x1b: {  	s9 =	sadd.s32 $0xFFFFFEF7, lr;
	s5 =	simm.s32 $0xFFFFFFFF;
	p2 =	slt.u32 s8, $0xFFFFF086  }
0x1c: {  	p1 =	slt.u32 s9, $0xF7A;
	s5 =	simm.s32 @!p2 $0x0  }
0x1d: {  	s5 =	simm.s32 @p1 $0x1;
	p0 =	seq.s32 s7, s2  }
0x1e: {  	s7 =	smul.u32 @!p0 $0xF7A, s2;
	p2 =	seq.s32 @!p0 s5, $0x0  }
0x1f: {  	s9 =	smul.u32 $0xF7A, s1;
	s8 =	simm.s32 @!p0 $0x1BF5;
	p2 =	por !p2, p0  }
0x20: {  	[sflag:s8] =	ssyncset.s32 @!p0 $0xFFFFF086;
	s6 =	sadd.s32 @!p0 s3, s7;
	s7 =	simm.s32 @!p0 $0x108  }
0x21: {  	s3 =	sadd.s32 s3, s9;
	s6 =	sadd.s32 @!p0 $0x88, s6;
	s7 =	simm.s32 @p2 $0x1082  }
0x22: {  	[simem:s7], [sflag:s8] =	dma.local @!p0 [hbm:s6], $0xF7A  }
0x23: {  	s9 =	sor.u32 $0xD0000000, s2;
	s6 =	simm.s32 $0x108;
	_ =	swait.ge @!p0 [sflag:s8], $0x0  }
0x24: {  	s3 =	sadd.s32 $0x88, s3;
	s6 =	simm.s32 @!p1 $0x1082;
	[sflag:s4] =	ssyncset.s32 $0xFFFFF086  }
0x25: {  	[simem:s6], [sflag:s4] =	dma.local [hbm:s3], $0xF7A  }
0x26: {  	[smem:$0x3F9A] =	sst s1;
	(tag) =	ssettag s2;
	_ =	strace s9  }
0x27: {  	s1 =	sld [smem:$0x3FAA]  }
0x28: {  	s2 =	sld [smem:$0x3FAB]  }
0x29: {  	s4 =	sld [smem:$0x3FAD]  }
0x2a: {  	p0 =	seq.s32 s5, $0x0;
	s5 =	sld [smem:$0x3FAE]  }
0x2b: {  	s6 =	sld [smem:$0x3FAF]  }
0x2c: {  	s7 =	sld [smem:$0x3FB0]  }
0x2d: {  	s3 =	simm.s32 $0x108;
	s8 =	sld [smem:$0x3FB1]  }
0x2e: {  	s3 =	simm.s32 @!p0 $0x1082;
	s9 =	sld [smem:$0x3FB2]  }
0x2f: {  	lr =	sadd.s32 s0, s3;
	s0 =	sld [smem:$0x3FA9]  }
0x30: {  	s3 =	sld [smem:$0x3FAC]  }
0x31: {  	[smem:$0x3FB5] =	sst s10  }
0x32: {  	s10 =	sld [smem:$0x3FB3];
	_ =	sdelay $0x3  }
0x33: {  	p0 =	seq.s32 s10, $0x1;
	s10 =	sld [smem:$0x3FB5];
	_ =	sdelay $0x3  }
0x34: {  	[smem:$0x3FB5] =	sst s10  }
0x35: {  	s10 =	sld [smem:$0x3FB4];
	_ =	sdelay $0x3  }
0x36: {  	p1 =	seq.s32 s10, $0x1;
	s10 =	sld [smem:$0x3FB5];
	_ =	sdelay $0x3  }
0x37: {  	[smem:$0x3FB5] =	sst s10  }
0x38: {  	s10 =	sld [smem:$0x3FB6]  }
0x39: {  	_ = 	snop;
	(pc) =	sbr.ind lr, $3  }
0x3a: {  	_ = 	snop  }
0x3b: {  	_ = 	snop  }
0x3c: {  	p2 =	seq.s32 s10, $0x1;
	s10 =	sld [smem:$0x3FB5]  }
0x3d: {  	_ =	shalt  }
0x3e: {  	_ =	shalt  }
0x3f: {  	_ =	shalt  }
0x40: {  	_ =	shalt  }
0x41: {  	_ =	shalt  }
0x42: {  	_ =	shalt  }
0x43: {  	_ =	shalt  }
0x44: {  	_ =	shalt  }
0x45: {  	_ =	shalt  }
0x46: {  	_ =	shalt  }
0x47: {  	_ =	shalt  }
0x48: {  	_ =	shalt  }
0x49: {  	_ =	shalt  }
0x4a: {  	_ =	shalt  }
0x4b: {  	_ =	shalt  }
0x4c: {  	_ =	shalt  }
0x4d: {  	_ =	shalt  }
0x4e: {  	_ =	shalt  }
0x4f: {  	_ =	shalt  }
0x50: {  	_ =	shalt  }
0x51: {  	_ =	shalt  }
0x52: {  	_ =	shalt  }
0x53: {  	_ =	shalt  }
0x54: {  	_ =	shalt  }
0x55: {  	_ =	shalt  }
0x56: {  	_ =	shalt  }
0x57: {  	_ =	shalt  }
0x58: {  	_ =	shalt  }
0x59: {  	_ =	shalt  }
0x5a: {  	_ =	shalt  }
0x5b: {  	_ =	shalt  }
0x5c: {  	_ =	shalt  }
0x5d: {  	_ =	shalt  }
0x5e: {  	_ =	shalt  }
0x5f: {  	_ =	shalt  }
0x60: {  	_ =	shalt  }
0x61: {  	_ =	shalt  }
0x62: {  	_ =	shalt  }
0x63: {  	_ =	shalt  }
0x64: {  	_ =	shalt  }
0x65: {  	_ =	shalt  }
0x66: {  	_ =	shalt  }
0x67: {  	_ =	shalt  }
0x68: {  	_ =	shalt  }
0x69: {  	_ =	shalt  }
0x6a: {  	_ =	shalt  }
0x6b: {  	_ =	shalt  }
0x6c: {  	_ =	shalt  }
0x6d: {  	_ =	shalt  }
0x6e: {  	_ =	shalt  }
0x6f: {  	_ =	shalt  }
0x70: {  	_ =	shalt  }
0x71: {  	_ =	shalt  }
0x72: {  	_ =	shalt  }
0x73: {  	_ =	shalt  }
0x74: {  	_ =	shalt  }
0x75: {  	_ =	shalt  }
0x76: {  	_ =	shalt  }
0x77: {  	_ =	shalt  }
0x78: {  	_ =	shalt  }
0x79: {  	_ =	shalt  }
0x7a: {  	_ =	shalt  }
0x7b: {  	_ =	shalt  }
0x7c: {  	_ =	shalt  }
0x7d: {  	_ =	shalt  }
0x7e: {  	_ =	shalt  }
0x7f: {  	_ =	shalt  }
0x80: {  	_ =	shalt  }
0x81: {  	_ =	shalt  }
0x82: {  	_ =	shalt  }
0x83: {  	_ =	shalt  }
0x84: {  	_ =	shalt  }
0x85: {  	_ =	shalt  }
0x86: {  	_ =	shalt  }
0x87: {  	_ =	shalt  }
.Lfunc_end0:
.L_simem_size_0:
called_computation.1_lowered:
.L_overlay_start_0:
0x88: {  	s2 =	sld [smem:$0x3FD9]  }
0x89: {  	s3 =	sld [smem:$0x3FFE];
	_ =	sdelay $0x1  }
0x8a: {  	s1 =	srdreg.scid  }
0x8b: {  	s0 =	sand.u32 $0x1, s1  }
0x8c: {  	s17 =	sshll.u32 s0, $0xA;
	s2 =	sadd.s32 s3, s2  }
0x8d: {  	s2 =	sadd.s32 s2, s17  }
0x8e: {  	[smem:$0x3FC1] =	sst s2  }
0x8f: {  	_ = 	snop  }
0x90: {  	s2 =	sld [smem:$0x3FC8]  }
0x91: {  	s18 =	sld [smem:$0x3FD0];
	(tm) =	ssettm $0x1  }
0x92: {  	s4 =	sld [smem:$0x3FFB];
	_ =	sdelay $0x3  }
0x93: {  	_ =	strace s4  }
0x94: {  	s4 =	sld [smem:$0x3FFC];
	_ =	sdelay $0x3  }
0x95: {  	_ =	strace s4  }
0x96: {  	s4 =	sld [smem:$0x3FFD];
	_ =	sdelay $0x3  }
0x97: {  	_ =	strace s4  }
0x98: {  	_ =	strace $0x8FFFFFFF  }
0x99: {  	s19 =	sld [smem:$0x3FDB];
	_ =	sdelay $0x1  }
0x9a: {  	s5 =	simm.s32 $_scs_section_size  }
0x9b: {  	s6 =	simm.s32 $_size__tile_overlayer_lowered;
	s7 =	simm.s32 $_tile_overlayer_lowered  }
0x9c: {  	s22 =	simm.s32 $0x1BFF;
	s21 =	sshll.u32 s7, $0x1;
	s4 =	sadd.s32 s5, s19  }
0x9d: {  	s8 =	simm.s32 $0x0;
	s20 =	sshll.u32 s6, $0x1;
	s6 =	sadd.s32 s21, s4  }
0x9e: {  	[timem:s8], [sflag:s22] =	dma.local [hbm:s6], s20  }
0x9f: {  	_ =	swait.ge [sflag:s22], s20  }
0xa0: {  	s5 =	ssub.s32 $0x0, s20;
	[sflag:s22] =	ssyncset.done $0x0  }
0xa1: {  	[sflag:s22] =	ssyncadd.s32 s5;
	_ =	sdelay $0x1  }
0xa2: {  	s23 =	simm.s32 $0x1B8B  }
0xa3: {  	_ =	swait.ge [sflag:s23], $0x1  }
0xa4: {  	[sflag:s23] =	ssyncset.done $0x0  }
0xa5: {  	s25 =	simm.s32 $0x1B8E;
	s24 =	sld [smem:$0x3FFE];
	[sflag:s23] =	ssyncadd.s32 $0xFFFFFFFF  }
0xa6: {  	s26 =	simm.s32 $execute0_lowered;
	[smem:$0x3FD2] =	sst s25  }
0xa7: {  	s6 =	sshll.u32 s26, $0x1;
	_ =	strace $0x80000046;
	[dreg:$0x1] =	wrdreg $0xFFFFFFFF  }
0xa8: {  	s28 =	simm.s32 $_size_execute0_lowered;
	s4 =	sadd.s32 s4, s6;
	[dreg:$0x0] =	wrdreg $0x0  }
0xa9: {  	s6 =	sshll.u32 s28, $0x1;
	[dreg:$0x2] =	wrdreg s4  }
0xaa: {  	[dreg:$0x3] =	wrdreg s6  }
0xab: {  	[dreg:$0x4] =	wrdreg $0xC0  }
0xac: {  	_ =	task [dreg:s8], $0x5FFFF  }
0xad: {  	[dreg:$0x1] =	wrdreg $0xFFFFFFFF  }
0xae: {  	[dreg:$0x0] =	wrdreg $0x60  }
0xaf: {  	[dreg:$0x2] =	wrdreg s18  }
0xb0: {  	[dreg:$0x3] =	wrdreg s2  }
0xb1: {  	[dreg:$0x4] =	wrdreg s24  }
0xb2: {  	[dreg:$0x5] =	wrdreg $0x9  }
0xb3: {  	_ =	task.clear_ibuf [dreg:s8], $0x6FFFF;
	_ =	strace $0x90000046  }
0xb4: {  	s29 =	simm.s32 $0x9;
	_ =	strace $0x80000048  }
0xb5: {  	_ =	swait.ge [sflag:s29], $0x1  }
0xb6: {  	[sflag:s29] =	ssyncadd.s32 $0xFFFFFFFF  }
0xb7: {  	_ =	strace $0x90000048  }
0xb8: {  	_ =	sfence  }
0xb9: {  	s30 =	sld [smem:$0x0];
	_ =	sdelay $0x2  }
0xba: {  	s31 =	sshll.u32 s1, $0xD;
	s1 =	sshrl.u32 s1, $0x2  }
0xbb: {  	s3 =	sand.u32 $0x4000, s31;
	s1 =	sadd.s32 s1, s30  }
0xbc: {  	s0 =	sor.u32 s3, s0;
	s1 =	sshll.u32 s1, $0x11  }
0xbd: {  	s0 =	sor.u32 s1, s0  }
0xbe: {  	s0 =	sadd.s32 $0x8F2B, s0  }
0xbf: {  	[sflag:s0] =	ssyncadd.remote.s32 $0x1  }
0xc0: {  	_ =	sfence.sel $0xFFFF  }
0xc1: {  	[dreg:$0x0] =	wrdreg $0xFFFFFFFF;
	(pc) =	sbr.abs _section_cstart, $3  }
0xc2: {  	[dreg:$0x1] =	wrdreg $0xFFFFFFFF  }
0xc3: {  	_ =	task.clear_ibuf [dreg:s8], $0x2FFFF;
	_ =	strace $0x9FFFFFFF  }
0xc4: {  	(tm) =	ssettm $0x7FFFFFFF  }
0xc5: {  	_ =	shalt  }
tec
execute0_lowered:
.L_overlay_start_1:
0x0: {  	(tag) =	ssettag $0x1  }
0x1: {  	s1 =	rddreg [dreg:$0x0]  }
0x2: {  	s2 =	rddreg [dreg:$0x1]  }
0x3: {  	s4 =	rddreg [dreg:$0x2]  }
0x4: {  	s0 =	rddreg [dreg:$0x3];
	s3 =	simm.s32 $0x0  }
0x5: {  	s5 =	srdreg.scid;
	s10 =	simm.s32 $0x7D80;
	s11 =	simm.s32 $0x9D80  }
0x6: {  	v4 =	vlaneseq.u32;
	s12 =	simm.s32 $0x0;
	[smem:$0x7FF] =	sst s3;
	s7 =	sand.u32 $0x1, s5  }
0x7: {  	s5 =	sadd.s32 $0x1600, s4;
	v0 =	vand.u32 $0x7, v4;
	s6 =	sadd.s32 $0x2600, s4;
	v1 =	vshrl.u32 v4, $0x3;
	v3 =	vor.u32 $0x8, v4;
	s8 =	ssub.s32 $0x2, s7  }
0x8: {  	s4 =	stileid.u32;
	v4 =	vor.u32 $0x18, v4;
	_ =	strace $0x80000047;
	v2 =	vor.u32 $0x10, v0;
	v5 =	vor.u32 $0x2, v1;
	s9 =	sshrl.u32 s8, $0x1  }
0x9: {  	s31 =	sshll.u32 s4, $0x10;
	s7 =	sshll.u32 s7, $0xF;
	v6 =	vor.u32 $0x4, v1;
	v7 =	vor.u32 $0x6, v1;
	v8 =	vor.u32 $0x8, v1;
	s8 =	ssub.s32 s8, s9  }
0xa: {  	v9 =	vor.u32 $0xA, v1;
	v10 =	vor.u32 $0xC, v1;
	v11 =	vor.u32 $0xE, v1;
	s7 =	sor.u32 s7, s31;
	s9 =	simm.s32 $0x1;
	s8 =	smax.u32 s8, $0x1  }
.LBB2_1:
0xb: {  	[tilespmem:s3], [sflag:$0x1] =	stream.linear.gather [hbm4b:s5+s3], $0x7D80, $0x38;
	[tilespmem:$0xC180] =	vst v63  }
0xc: {  	_ =	swait.ge [sflag:s9], $0x7D80  }
0xd: {  	[sflag:s9] =	ssyncset.done $0x0  }
0xe: {  	s13 =	simm.s32 $0x0;
	[sflag:s9] =	ssyncadd.s32 $0xFFFF8280  }
.LBB2_2:
0xf: {  	s14 =	sshll.u32 s13, $0xA  }
0x10: {  	s14 =	sadd.s32 s7, s14  }
0x11: {  	s16 =	simm.s32 $0x0;
	s15 =	sadd.s32 s1, s14  }
0x12: {  	[tilespmem:s10], [sflag:$0x1] =	stream.linear.gather [hbm4b:s15+s16], $0x2000, $0x38;
	[tilespmem:$0xC180] =	vst v63  }
0x13: {  	_ =	swait.ge [sflag:s9], $0x2000  }
0x14: {  	s31 =	sshrl.u32 s14, $0x3;
	[sflag:s9] =	ssyncset.done $0x0  }
0x15: {  	s17 =	sadd.s32 s2, s31;
	s15 =	simm.s32 $0xBD80;
	[sflag:s9] =	ssyncadd.s32 $0xFFFFE000  }
0x16: {  	[tilespmem:s15], [sflag:$0x1] =	stream.linear.gather [hbm4b:s17+s16], $0x400, $0x38;
	[tilespmem:$0xC180] =	vst v63  }
0x17: {  	_ =	swait.ge [sflag:s9], $0x400  }
0x18: {  	[sflag:s9] =	ssyncset.done $0x0  }
0x19: {  	[sflag:s9] =	ssyncadd.s32 $0xFFFFFC00  }
0x1a: {  	v12 =	vld [tilespmem:s15+$0x0];
	_ =	sdelay $0x4  }
0x1b: {  	v12 =	vmul.f32 $2.000000000e+03, v12;
	_ =	sdelay $0x1  }
0x1c: {  	v12 =	vsub.f32 $2.000000000e+03, v12;
	_ =	sdelay $0x1  }
0x1d: {  	v13 =	vtrunc.f32 v12  }
0x1e: {  	v13 =	vcvt.f32.s32 v13;
	_ =	sdelay $0x1  }
0x1f: {  	vm0 =	vgt.s32 v13, $0x0  }
0x20: {  	v13 =	vnsel vm0, $0x0, v13  }
0x21: {  	v13 =	vmin.u32 v13, $0x7CF  }
0x22: {  	v14 =	vperm.xlane v13, v1;
	_ =	sdelay $0x1  }
0x23: {  	v14 =	vshll.u32 v14, $0x4  }
0x24: {  	v15 =	vor.u32 v0, v14  }
0x25: {  	v16 =	vadd.s32 v2, v14  }
0x26: {  	v17 =	vor.u32 v3, v14  }
0x27: {  	v14 =	vadd.s32 v4, v14;
	_ =	sdelay $0x1  }
0x28: {  	v15 =	vld.idx.msk [tilespmem:v15+s3+$0x0], $0xffff  }
0x29: {  	v16 =	vld.idx.msk [tilespmem:v16+s3+$0x0], $0xffff  }
0x2a: {  	v18 =	vcvt.s32.f32 v13;
	v17 =	vld.idx.msk [tilespmem:v17+s3+$0x0], $0xffff  }
0x2b: {  	v14 =	vld.idx.msk [tilespmem:v14+s3+$0x0], $0xffff  }
0x2c: {  	v12 =	vsub.f32 v12, v18;
	_ =	sdelay $0x1  }
0x2d: {  	s16 =	simm.s32 $0x0;
	v18 =	vperm.xlane v12, v1;
	v16 =	vsub.f32 v16, v15  }
0x2e: {  	v19 =	vld [tilespmem:s16+$0x7D80]  }
0x2f: {  	v14 =	vsub.f32 v14, v17;
	v16 =	vmul.f32 v16, v18  }
0x30: {  	v20 =	vperm.xlane v13, v5  }
0x31: {  	v14 =	vmul.f32 v14, v18;
	v15 =	vadd.f32 v16, v15  }
0x32: {  	v16 =	vshll.u32 v20, $0x4  }
0x33: {  	v14 =	vadd.f32 v14, v17;
	v17 =	vor.u32 v0, v16;
	v15 =	vmul.f32 v19, v15  }
0x34: {  	v18 =	vadd.s32 v2, v16  }
0x35: {  	v14 =	vadd.f32 v14, v15;
	v15 =	vadd.s32 v4, v16  }
0x36: {  	v16 =	vor.u32 v3, v16  }
0x37: {  	[tilespmem:s16+$0x9D80] =	vst v14  }
0x38: {  	v14 =	vld.idx.msk [tilespmem:v17+s3+$0x0], $0xffff  }
0x39: {  	v17 =	vld.idx.msk [tilespmem:v18+s3+$0x0], $0xffff  }
0x3a: {  	v15 =	vld.idx.msk [tilespmem:v15+s3+$0x0], $0xffff  }
0x3b: {  	v16 =	vld.idx.msk [tilespmem:v16+s3+$0x0], $0xffff;
	_ =	sdelay $0x2  }
0x3c: {  	v18 =	vperm.xlane v12, v5;
	v17 =	vsub.f32 v17, v14  }
0x3d: {  	v19 =	vld [tilespmem:s16+$0x7D90]  }
0x3e: {  	v17 =	vmul.f32 v17, v18;
	v15 =	vsub.f32 v15, v16  }
0x3f: {  	v59 =	vperm.xlane v13, v6  }
0x40: {  	v14 =	vadd.f32 v17, v14;
	v15 =	vmul.f32 v15, v18  }
0x41: {  	v17 =	vshll.u32 v59, $0x4  }
0x42: {  	v14 =	vmul.f32 v19, v14;
	v15 =	vadd.f32 v15, v16;
	v16 =	vor.u32 v0, v17  }
0x43: {  	v18 =	vadd.s32 v2, v17  }
0x44: {  	v14 =	vadd.f32 v15, v14;
	v15 =	vadd.s32 v4, v17  }
0x45: {  	v17 =	vor.u32 v3, v17  }
0x46: {  	[tilespmem:s16+$0x9D90] =	vst v14  }
0x47: {  	v14 =	vld.idx.msk [tilespmem:v16+s3+$0x0], $0xffff  }
0x48: {  	v16 =	vld.idx.msk [tilespmem:v18+s3+$0x0], $0xffff  }
0x49: {  	v15 =	vld.idx.msk [tilespmem:v15+s3+$0x0], $0xffff  }
0x4a: {  	v17 =	vld.idx.msk [tilespmem:v17+s3+$0x0], $0xffff;
	_ =	sdelay $0x2  }
0x4b: {  	v18 =	vperm.xlane v12, v6;
	v16 =	vsub.f32 v16, v14  }
0x4c: {  	v19 =	vld [tilespmem:s16+$0x7DA0]  }
0x4d: {  	v16 =	vmul.f32 v16, v18;
	v15 =	vsub.f32 v15, v17  }
0x4e: {  	v60 =	vperm.xlane v13, v7  }
0x4f: {  	v14 =	vadd.f32 v16, v14;
	v15 =	vmul.f32 v15, v18  }
0x50: {  	v16 =	vshll.u32 v60, $0x4  }
0x51: {  	v14 =	vmul.f32 v19, v14;
	v15 =	vadd.f32 v15, v17;
	v17 =	vor.u32 v0, v16  }
0x52: {  	v18 =	vadd.s32 v2, v16  }
0x53: {  	v14 =	vadd.f32 v15, v14;
	v15 =	vadd.s32 v4, v16  }
0x54: {  	v16 =	vor.u32 v3, v16  }
0x55: {  	[tilespmem:s16+$0x9DA0] =	vst v14  }
0x56: {  	v14 =	vld.idx.msk [tilespmem:v17+s3+$0x0], $0xffff  }
0x57: {  	v17 =	vld.idx.msk [tilespmem:v18+s3+$0x0], $0xffff  }
0x58: {  	v15 =	vld.idx.msk [tilespmem:v15+s3+$0x0], $0xffff  }
0x59: {  	v16 =	vld.idx.msk [tilespmem:v16+s3+$0x0], $0xffff;
	_ =	sdelay $0x2  }
0x5a: {  	v18 =	vperm.xlane v12, v7;
	v17 =	vsub.f32 v17, v14  }
0x5b: {  	v19 =	vld [tilespmem:s16+$0x7DB0]  }
0x5c: {  	v17 =	vmul.f32 v17, v18;
	v15 =	vsub.f32 v15, v16  }
0x5d: {  	v61 =	vperm.xlane v13, v8  }
0x5e: {  	v14 =	vadd.f32 v17, v14;
	v15 =	vmul.f32 v15, v18  }
0x5f: {  	v17 =	vshll.u32 v61, $0x4  }
0x60: {  	v14 =	vmul.f32 v19, v14;
	v15 =	vadd.f32 v15, v16;
	v16 =	vor.u32 v0, v17  }
0x61: {  	v18 =	vadd.s32 v2, v17  }
0x62: {  	v14 =	vadd.f32 v15, v14;
	v15 =	vadd.s32 v4, v17  }
0x63: {  	v17 =	vor.u32 v3, v17  }
0x64: {  	[tilespmem:s16+$0x9DB0] =	vst v14  }
0x65: {  	v14 =	vld.idx.msk [tilespmem:v16+s3+$0x0], $0xffff  }
0x66: {  	v16 =	vld.idx.msk [tilespmem:v18+s3+$0x0], $0xffff  }
0x67: {  	v15 =	vld.idx.msk [tilespmem:v15+s3+$0x0], $0xffff  }
0x68: {  	v17 =	vld.idx.msk [tilespmem:v17+s3+$0x0], $0xffff;
	_ =	sdelay $0x2  }
0x69: {  	v18 =	vperm.xlane v12, v8;
	v16 =	vsub.f32 v16, v14  }
0x6a: {  	v19 =	vld [tilespmem:s16+$0x7DC0]  }
0x6b: {  	v16 =	vmul.f32 v16, v18;
	v15 =	vsub.f32 v15, v17  }
0x6c: {  	v62 =	vperm.xlane v13, v9  }
0x6d: {  	v14 =	vadd.f32 v16, v14;
	v15 =	vmul.f32 v15, v18  }
0x6e: {  	v16 =	vshll.u32 v62, $0x4  }
0x6f: {  	v14 =	vmul.f32 v19, v14;
	v15 =	vadd.f32 v15, v17;
	v17 =	vor.u32 v0, v16  }
0x70: {  	v18 =	vadd.s32 v2, v16  }
0x71: {  	v14 =	vadd.f32 v15, v14;
	v15 =	vor.u32 v3, v16  }
0x72: {  	v16 =	vadd.s32 v4, v16  }
0x73: {  	[tilespmem:s16+$0x9DC0] =	vst v14  }
0x74: {  	v14 =	vld.idx.msk [tilespmem:v17+s3+$0x0], $0xffff  }
0x75: {  	v17 =	vld.idx.msk [tilespmem:v18+s3+$0x0], $0xffff  }
0x76: {  	v15 =	vld.idx.msk [tilespmem:v15+s3+$0x0], $0xffff  }
0x77: {  	v16 =	vld.idx.msk [tilespmem:v16+s3+$0x0], $0xffff;
	_ =	sdelay $0x2  }
0x78: {  	v18 =	vperm.xlane v12, v9;
	v17 =	vsub.f32 v17, v14  }
0x79: {  	v19 =	vld [tilespmem:s16+$0x7DD0]  }
0x7a: {  	v17 =	vmul.f32 v17, v18;
	v16 =	vsub.f32 v16, v15  }
0x7b: {  	v63 =	vperm.xlane v13, v10  }
0x7c: {  	v14 =	vadd.f32 v17, v14;
	v16 =	vmul.f32 v16, v18  }
0x7d: {  	v17 =	vshll.u32 v63, $0x4  }
0x7e: {  	v14 =	vmul.f32 v19, v14;
	v15 =	vadd.f32 v16, v15;
	v16 =	vor.u32 v0, v17  }
0x7f: {  	v18 =	vadd.s32 v2, v17  }
0x80: {  	v19 =	vor.u32 v3, v17;
	v14 =	vadd.f32 v15, v14  }
0x81: {  	v17 =	vadd.s32 v4, v17  }
0x82: {  	[tilespmem:s16+$0x9DD0] =	vst v14  }
0x83: {  	v15 =	vld.idx.msk [tilespmem:v16+s3+$0x0], $0xffff  }
0x84: {  	v13 =	vperm.xlane v13, v11;
	v16 =	vld.idx.msk [tilespmem:v18+s3+$0x0], $0xffff  }
0x85: {  	v14 =	vld.idx.msk [tilespmem:v19+s3+$0x0], $0xffff  }
0x86: {  	s17 =	simm.s32 $0x200;
	v13 =	vshll.u32 v13, $0x4;
	v17 =	vld.idx.msk [tilespmem:v17+s3+$0x0], $0xffff  }
.LBB2_3:
0x87: {  	p0 =	sne.s32 s17, $0x7E00  }
0x88: {  	s15 =	sadd.s32 $0x10, s15;
	s18 =	smov.u32 s17;
	s17 =	sadd.s32 $0x200, s17  }
0x89: {  	_ =	sdelay $0x1  }
0x8a: {  	v18 =	vperm.xlane v12, v10;
	v16 =	vsub.f32 v16, v15  }
0x8b: {  	v19 =	vld [tilespmem:s16+$0x7DE0]  }
0x8c: {  	v16 =	vmul.f32 v16, v18;
	v17 =	vsub.f32 v17, v14;
	_ =	sdelay $0x1  }
0x8d: {  	v15 =	vadd.f32 v16, v15;
	v16 =	vmul.f32 v17, v18;
	_ =	sdelay $0x1  }
0x8e: {  	v14 =	vadd.f32 v16, v14;
	v16 =	vor.u32 v0, v13;
	v15 =	vmul.f32 v19, v15  }
0x8f: {  	v17 =	vadd.s32 v2, v13  }
0x90: {  	v14 =	vadd.f32 v14, v15;
	v15 =	vor.u32 v3, v13  }
0x91: {  	v13 =	vadd.s32 v4, v13  }
0x92: {  	[tilespmem:s16+$0x9DE0] =	vst v14  }
0x93: {  	v14 =	vld.idx.msk [tilespmem:v16+s3+$0x0], $0xffff  }
0x94: {  	v16 =	vld.idx.msk [tilespmem:v17+s3+$0x0], $0xffff  }
0x95: {  	v15 =	vld.idx.msk [tilespmem:v15+s3+$0x0], $0xffff  }
0x96: {  	v13 =	vld.idx.msk [tilespmem:v13+s3+$0x0], $0xffff;
	_ =	sdelay $0x3  }
0x97: {  	v12 =	vperm.xlane v12, v11;
	v16 =	vsub.f32 v16, v14  }
0x98: {  	v17 =	vld [tilespmem:s16+$0x7DF0]  }
0x99: {  	v16 =	vmul.f32 v16, v12;
	v13 =	vsub.f32 v13, v15;
	_ =	sdelay $0x1  }
0x9a: {  	v14 =	vadd.f32 v16, v14;
	v12 =	vmul.f32 v13, v12;
	_ =	sdelay $0x1  }
0x9b: {  	v12 =	vadd.f32 v12, v15;
	v13 =	vmul.f32 v17, v14;
	_ =	sdelay $0x1  }
0x9c: {  	v12 =	vadd.f32 v12, v13;
	_ =	sdelay $0x1  }
0x9d: {  	[tilespmem:s16+$0x9DF0] =	vst v12  }
0x9e: {  	v12 =	vld [tilespmem:s15+$0x0];
	_ =	sdelay $0x4  }
0x9f: {  	v12 =	vmul.f32 $2.000000000e+03, v12;
	_ =	sdelay $0x1  }
0xa0: {  	v12 =	vsub.f32 $2.000000000e+03, v12;
	_ =	sdelay $0x1  }
0xa1: {  	v13 =	vtrunc.f32 v12  }
0xa2: {  	v13 =	vcvt.f32.s32 v13;
	_ =	sdelay $0x1  }
0xa3: {  	vm0 =	vgt.s32 v13, $0x0  }
0xa4: {  	v13 =	vnsel vm0, $0x0, v13  }
0xa5: {  	v13 =	vmin.u32 v13, $0x7CF  }
0xa6: {  	v14 =	vcvt.s32.f32 v13;
	v15 =	vperm.xlane v13, v1  }
0xa7: {  	v16 =	vperm.xlane v13, v5;
	v17 =	vperm.xlane v13, v6  }
0xa8: {  	v12 =	vsub.f32 v12, v14;
	v14 =	vshll.u32 v15, $0x4;
	v15 =	vperm.xlane v13, v7  }
0xa9: {  	v18 =	vor.u32 v0, v14;
	v19 =	vor.u32 v3, v14;
	v20 =	vadd.s32 v4, v14  }
0xaa: {  	v22 =	vshll.u32 v16, $0x4;
	v17 =	vshll.u32 v17, $0x4;
	v21 =	vadd.s32 v2, v14  }
0xab: {  	v14 =	vperm.xlane v13, v8;
	v23 =	vshll.u32 v15, $0x4;
	v15 =	vperm.xlane v13, v9  }
0xac: {  	v24 =	vperm.xlane v13, v10;
	v13 =	vperm.xlane v13, v11  }
0xad: {  	v16 =	vshll.u32 v14, $0x4;
	v15 =	vshll.u32 v15, $0x4  }
0xae: {  	v14 =	vshll.u32 v24, $0x4;
	v13 =	vshll.u32 v13, $0x4;
	v19 =	vld.idx.msk [tilespmem:v19+s3+$0x0], $0xffff  }
0xaf: {  	v18 =	vld.idx.msk [tilespmem:v18+s3+$0x0], $0xffff  }
0xb0: {  	v21 =	vld.idx.msk [tilespmem:v21+s3+$0x0], $0xffff  }
0xb1: {  	v20 =	vld.idx.msk [tilespmem:v20+s3+$0x0], $0xffff;
	_ =	sdelay $0x4  }
0xb2: {  	s16 =	sshra.s32 s18, $0x2;
	v24 =	vperm.xlane v12, v1;
	v21 =	vsub.f32 v21, v18  }
0xb3: {  	v20 =	vsub.f32 v20, v19;
	v25 =	vld [tilespmem:s16+$0x7D80]  }
0xb4: {  	v21 =	vmul.f32 v21, v24  }
0xb5: {  	v20 =	vmul.f32 v20, v24  }
0xb6: {  	v18 =	vadd.f32 v21, v18  }
0xb7: {  	v19 =	vadd.f32 v20, v19  }
0xb8: {  	v20 =	vor.u32 v0, v22;
	v18 =	vmul.f32 v25, v18  }
0xb9: {  	v21 =	vadd.s32 v2, v22  }
0xba: {  	v18 =	vadd.f32 v19, v18;
	v19 =	vadd.s32 v4, v22  }
0xbb: {  	v22 =	vor.u32 v3, v22  }
0xbc: {  	[tilespmem:s16+$0x9D80] =	vst v18  }
0xbd: {  	v18 =	vld.idx.msk [tilespmem:v20+s3+$0x0], $0xffff  }
0xbe: {  	v20 =	vld.idx.msk [tilespmem:v21+s3+$0x0], $0xffff  }
0xbf: {  	v19 =	vld.idx.msk [tilespmem:v19+s3+$0x0], $0xffff  }
0xc0: {  	v21 =	vld.idx.msk [tilespmem:v22+s3+$0x0], $0xffff;
	_ =	sdelay $0x3  }
0xc1: {  	v22 =	vperm.xlane v12, v5;
	v20 =	vsub.f32 v20, v18  }
0xc2: {  	v24 =	vld [tilespmem:s16+$0x7D90]  }
0xc3: {  	v20 =	vmul.f32 v20, v22;
	v19 =	vsub.f32 v19, v21;
	_ =	sdelay $0x1  }
0xc4: {  	v18 =	vadd.f32 v20, v18;
	v19 =	vmul.f32 v19, v22;
	_ =	sdelay $0x1  }
0xc5: {  	v20 =	vor.u32 v0, v17;
	v19 =	vadd.f32 v19, v21;
	v18 =	vmul.f32 v24, v18  }
0xc6: {  	v21 =	vadd.s32 v2, v17  }
0xc7: {  	v18 =	vadd.f32 v19, v18;
	v19 =	vadd.s32 v4, v17  }
0xc8: {  	v17 =	vor.u32 v3, v17  }
0xc9: {  	[tilespmem:s16+$0x9D90] =	vst v18  }
0xca: {  	v18 =	vld.idx.msk [tilespmem:v20+s3+$0x0], $0xffff  }
0xcb: {  	v20 =	vld.idx.msk [tilespmem:v21+s3+$0x0], $0xffff  }
0xcc: {  	v19 =	vld.idx.msk [tilespmem:v19+s3+$0x0], $0xffff  }
0xcd: {  	v17 =	vld.idx.msk [tilespmem:v17+s3+$0x0], $0xffff;
	_ =	sdelay $0x3  }
0xce: {  	v21 =	vperm.xlane v12, v6;
	v20 =	vsub.f32 v20, v18  }
0xcf: {  	v22 =	vld [tilespmem:s16+$0x7DA0]  }
0xd0: {  	v20 =	vmul.f32 v20, v21;
	v19 =	vsub.f32 v19, v17;
	_ =	sdelay $0x1  }
0xd1: {  	v18 =	vadd.f32 v20, v18;
	v19 =	vmul.f32 v19, v21;
	_ =	sdelay $0x1  }
0xd2: {  	v17 =	vadd.f32 v19, v17;
	v19 =	vor.u32 v0, v23;
	v18 =	vmul.f32 v22, v18  }
0xd3: {  	v20 =	vadd.s32 v2, v23  }
0xd4: {  	v17 =	vadd.f32 v17, v18;
	v18 =	vadd.s32 v4, v23  }
0xd5: {  	v21 =	vor.u32 v3, v23  }
0xd6: {  	[tilespmem:s16+$0x9DA0] =	vst v17  }
0xd7: {  	v17 =	vld.idx.msk [tilespmem:v19+s3+$0x0], $0xffff  }
0xd8: {  	v19 =	vld.idx.msk [tilespmem:v20+s3+$0x0], $0xffff  }
0xd9: {  	v18 =	vld.idx.msk [tilespmem:v18+s3+$0x0], $0xffff  }
0xda: {  	v20 =	vld.idx.msk [tilespmem:v21+s3+$0x0], $0xffff;
	_ =	sdelay $0x3  }
0xdb: {  	v21 =	vperm.xlane v12, v7;
	v19 =	vsub.f32 v19, v17  }
0xdc: {  	v22 =	vld [tilespmem:s16+$0x7DB0]  }
0xdd: {  	v19 =	vmul.f32 v19, v21;
	v18 =	vsub.f32 v18, v20;
	_ =	sdelay $0x1  }
0xde: {  	v17 =	vadd.f32 v19, v17;
	v18 =	vmul.f32 v18, v21;
	_ =	sdelay $0x1  }
0xdf: {  	v19 =	vor.u32 v0, v16;
	v18 =	vadd.f32 v18, v20;
	v17 =	vmul.f32 v22, v17  }
0xe0: {  	v20 =	vadd.s32 v2, v16  }
0xe1: {  	v17 =	vadd.f32 v18, v17;
	v18 =	vadd.s32 v4, v16  }
0xe2: {  	v16 =	vor.u32 v3, v16  }
0xe3: {  	[tilespmem:s16+$0x9DB0] =	vst v17  }
0xe4: {  	v17 =	vld.idx.msk [tilespmem:v19+s3+$0x0], $0xffff  }
0xe5: {  	v19 =	vld.idx.msk [tilespmem:v20+s3+$0x0], $0xffff  }
0xe6: {  	v18 =	vld.idx.msk [tilespmem:v18+s3+$0x0], $0xffff  }
0xe7: {  	v16 =	vld.idx.msk [tilespmem:v16+s3+$0x0], $0xffff;
	_ =	sdelay $0x3  }
0xe8: {  	v20 =	vperm.xlane v12, v8;
	v19 =	vsub.f32 v19, v17  }
0xe9: {  	v21 =	vld [tilespmem:s16+$0x7DC0]  }
0xea: {  	v19 =	vmul.f32 v19, v20;
	v18 =	vsub.f32 v18, v16;
	_ =	sdelay $0x1  }
0xeb: {  	v17 =	vadd.f32 v19, v17;
	v18 =	vmul.f32 v18, v20;
	_ =	sdelay $0x1  }
0xec: {  	v16 =	vadd.f32 v18, v16;
	v18 =	vor.u32 v0, v15;
	v17 =	vmul.f32 v21, v17  }
0xed: {  	v19 =	vadd.s32 v2, v15  }
0xee: {  	v16 =	vadd.f32 v16, v17;
	v17 =	vor.u32 v3, v15  }
0xef: {  	v15 =	vadd.s32 v4, v15  }
0xf0: {  	[tilespmem:s16+$0x9DC0] =	vst v16  }
0xf1: {  	v16 =	vld.idx.msk [tilespmem:v18+s3+$0x0], $0xffff  }
0xf2: {  	v18 =	vld.idx.msk [tilespmem:v19+s3+$0x0], $0xffff  }
0xf3: {  	v17 =	vld.idx.msk [tilespmem:v17+s3+$0x0], $0xffff  }
0xf4: {  	v15 =	vld.idx.msk [tilespmem:v15+s3+$0x0], $0xffff;
	_ =	sdelay $0x3  }
0xf5: {  	v19 =	vperm.xlane v12, v9;
	v18 =	vsub.f32 v18, v16  }
0xf6: {  	v20 =	vld [tilespmem:s16+$0x7DD0]  }
0xf7: {  	v18 =	vmul.f32 v18, v19;
	v15 =	vsub.f32 v15, v17;
	_ =	sdelay $0x1  }
0xf8: {  	v16 =	vadd.f32 v18, v16;
	v15 =	vmul.f32 v15, v19;
	_ =	sdelay $0x1  }
0xf9: {  	v15 =	vadd.f32 v15, v17;
	v17 =	vor.u32 v0, v14;
	v16 =	vmul.f32 v20, v16  }
0xfa: {  	v18 =	vadd.s32 v2, v14  }
0xfb: {  	v19 =	vor.u32 v3, v14;
	v15 =	vadd.f32 v15, v16  }
0xfc: {  	v20 =	vadd.s32 v4, v14  }
.Ltmp0:
0xfd: {  	[tilespmem:s16+$0x9DD0] =	vst v15;
	(pc) =	sbr.rel @p0 .LBB2_3-.Ltmp0, $4  }
0xfe: {  	v15 =	vld.idx.msk [tilespmem:v17+s3+$0x0], $0xffff  }
0xff: {  	v16 =	vld.idx.msk [tilespmem:v18+s3+$0x0], $0xffff  }
0x100: {  	v14 =	vld.idx.msk [tilespmem:v19+s3+$0x0], $0xffff  }
0x101: {  	v17 =	vld.idx.msk [tilespmem:v20+s3+$0x0], $0xffff  }
0x102: {  	_ =	sdelay $0x1  }
0x103: {  	v18 =	vperm.xlane v12, v10;
	v16 =	vsub.f32 v16, v15  }
0x104: {  	v19 =	vld [tilespmem:s16+$0x7DE0]  }
0x105: {  	v16 =	vmul.f32 v16, v18;
	v17 =	vsub.f32 v17, v14;
	_ =	sdelay $0x1  }
0x106: {  	v53 =	vadd.f32 v16, v15;
	v54 =	vmul.f32 v17, v18;
	_ =	sdelay $0x1  }
0x107: {  	v56 =	vor.u32 v0, v13;
	v15 =	vmul.f32 v19, v53;
	v55 =	vadd.f32 v54, v14  }
0x108: {  	v57 =	vadd.s32 v2, v13  }
0x109: {  	v58 =	vor.u32 v3, v13;
	v14 =	vadd.f32 v55, v15  }
0x10a: {  	v59 =	vadd.s32 v4, v13  }
0x10b: {  	[tilespmem:s16+$0x9DE0] =	vst v14  }
0x10c: {  	v14 =	vld.idx.msk [tilespmem:v56+s3+$0x0], $0xffff  }
0x10d: {  	v60 =	vld.idx.msk [tilespmem:v57+s3+$0x0], $0xffff  }
0x10e: {  	v15 =	vld.idx.msk [tilespmem:v58+s3+$0x0], $0xffff  }
0x10f: {  	v13 =	vld.idx.msk [tilespmem:v59+s3+$0x0], $0xffff;
	_ =	sdelay $0x2  }
0x110: {  	v61 =	vperm.xlane v12, v11;
	v16 =	vsub.f32 v60, v14  }
0x111: {  	v62 =	vld [tilespmem:s16+$0x7DF0]  }
0x112: {  	v13 =	vsub.f32 v13, v15;
	v16 =	vmul.f32 v16, v61;
	_ =	sdelay $0x1  }
0x113: {  	v12 =	vmul.f32 v13, v61;
	v14 =	vadd.f32 v16, v14;
	_ =	sdelay $0x1  }
0x114: {  	v12 =	vadd.f32 v12, v15;
	v63 =	vmul.f32 v62, v14;
	_ =	sdelay $0x1  }
0x115: {  	s13 =	sadd.s32 $0x1, s13;
	v12 =	vadd.f32 v12, v63  }
0x116: {  	p0 =	sne.s32 s13, $0x20  }
.Ltmp1:
0x117: {  	s14 =	sadd.s32 s6, s14;
	[tilespmem:s16+$0x9DF0] =	vst v12;
	(pc) =	sbr.rel @p0 .LBB2_2-.Ltmp1, $4  }
0x118: {  	[hbm4b:s14+s3] =	stream.linear.scatter [tilespmem:s11], [sflag:$0x1], $0x2000, $0x38;
	[tilespmem:$0xC180] =	vst v63  }
0x119: {  	_ =	swait.ge [sflag:s9], $0x2000  }
0x11a: {  	[sflag:s9] =	ssyncset.done $0x0  }
0x11b: {  	[sflag:s9] =	ssyncadd.s32 $0xFFFFE000  }
0x11c: {  	s12 =	sadd.s32 $0x1, s12  }
0x11d: {  	p0 =	sne.s32 s12, s8  }
.Ltmp2:
0x11e: {  	_ = 	snop;
	(pc) =	sbr.rel @p0 .LBB2_1-.Ltmp2, $1  }
0x11f: {  	_ =	sdelay $0x3  }
0x120: {  	_ =	sfence.sel $0x180000  }
0x121: {  	[bflag:$0x0] =	sbarrier.arrive $0xFFFF  }
0x122: {  	p0 =	sne.s32 s4, $0x0;
	_ =	strace $0x90000047  }
0x123: {  	s0 =	sadd.s32 @!p0 $0x100000, s0;
	[bflag:$0x2] =	sbarrier.arrive $0xFFFF  }
0x124: {  	[sflag:s0] =	ssyncadd.tile.s32 @!p0 $0x1;
	_ =	shalt  }
.Lfunc_end2:
_tile_overlayer_lowered:
.L_overlay_start_2:
0x125: {  	(tag) =	ssettag $0x2  }
0x126: {  	s0 =	rddreg [dreg:$0x0];
	s2 =	stileid.u32  }
0x127: {  	s1 =	rddreg [dreg:$0x1];
	p0 =	sne.s32 s2, $0x0  }
0x128: {  	s3 =	rddreg [dreg:$0x2];
	[bflag:$0x3] =	sbarrier.arrive $0xFFFF;
	s2 =	simm.s32 @!p0 $0x1C01  }
0x129: {  	[timem:s3], [sflag:s2] =	dma.local @!p0 [hbm:s0], s1  }
0x12a: {  	s0 =	simm.s32 @!p0 $0x1  }
0x12b: {  	_ =	swait.ge @!p0 [sflag:s0], s1  }
0x12c: {  	s1 =	ssub.s32 @!p0 $0x0, s1;
	[sflag:s0] =	ssyncset.done @!p0 $0x0  }
0x12d: {  	[sflag:s0] =	ssyncadd.s32 @!p0 s1  }
0x12e: {  	[bflag:$0x3] =	sbarrier.arrive $0xFFFF  }
0x12f: {  	_ =	shalt  }

// kernel: sparse-core-data-format-call.cloned.1.call-start
scs
called_computation_lowered:
.L_overlay_start_0:
0x0: {  	s2 =	sld [smem:$0x3FD9]  }
0x1: {  	s3 =	sld [smem:$0x3FFE];
	_ =	sdelay $0x1  }
0x2: {  	s1 =	srdreg.scid  }
0x3: {  	s0 =	sand.u32 $0x1, s1  }
0x4: {  	s18 =	sshll.u32 s0, $0xA;
	s2 =	sadd.s32 s3, s2  }
0x5: {  	s2 =	sadd.s32 s2, s18  }
0x6: {  	[smem:$0x3FC1] =	sst s2  }
0x7: {  	_ = 	snop  }
0x8: {  	s2 =	sld [smem:$0x3FD0];
	(tm) =	ssettm $0x1  }
0x9: {  	s19 =	sld [smem:$0x3FFB];
	_ =	sdelay $0x3  }
0xa: {  	_ =	strace s19  }
0xb: {  	s3 =	sld [smem:$0x3FFC];
	_ =	sdelay $0x3  }
0xc: {  	_ =	strace s3  }
0xd: {  	s3 =	sld [smem:$0x3FFD];
	_ =	sdelay $0x3  }
0xe: {  	_ =	strace s3  }
0xf: {  	_ =	strace $0x8FFFFFFF  }
0x10: {  	s20 =	sld [smem:$0x3FDB];
	_ =	sdelay $0x1  }
0x11: {  	s4 =	simm.s32 $_scs_section_size  }
0x12: {  	s5 =	simm.s32 $_size__tile_overlayer_lowered;
	s6 =	simm.s32 $_tile_overlayer_lowered  }
0x13: {  	s23 =	simm.s32 $0x1BFF;
	s22 =	sshll.u32 s6, $0x1;
	s3 =	sadd.s32 s4, s20  }
0x14: {  	s7 =	simm.s32 $0x0;
	s21 =	sshll.u32 s5, $0x1;
	s5 =	sadd.s32 s22, s3  }
0x15: {  	[timem:s7], [sflag:s23] =	dma.local [hbm:s5], s21  }
0x16: {  	_ =	swait.ge [sflag:s23], s21  }
0x17: {  	s4 =	ssub.s32 $0x0, s21;
	[sflag:s23] =	ssyncset.done $0x0  }
0x18: {  	[sflag:s23] =	ssyncadd.s32 s4;
	_ =	sdelay $0x1  }
0x19: {  	s24 =	simm.s32 $0x1B8B  }
0x1a: {  	_ =	swait.ge [sflag:s24], $0x1  }
0x1b: {  	[sflag:s24] =	ssyncset.done $0x0  }
0x1c: {  	s26 =	simm.s32 $0x1B8E;
	s25 =	sld [smem:$0x3FFE];
	[sflag:s24] =	ssyncadd.s32 $0xFFFFFFFF  }
0x1d: {  	s27 =	simm.s32 $execute0_lowered;
	[smem:$0x3FD2] =	sst s26  }
0x1e: {  	s5 =	sshll.u32 s27, $0x1;
	_ =	strace $0x80000049;
	[dreg:$0x1] =	wrdreg $0xFFFFFFFF  }
0x1f: {  	s28 =	simm.s32 $_size_execute0_lowered;
	s3 =	sadd.s32 s3, s5;
	[dreg:$0x0] =	wrdreg $0x0  }
0x20: {  	s5 =	sshll.u32 s28, $0x1;
	[dreg:$0x2] =	wrdreg s3  }
0x21: {  	[dreg:$0x3] =	wrdreg s5  }
0x22: {  	[dreg:$0x4] =	wrdreg $0xC0  }
0x23: {  	_ =	task [dreg:s7], $0x5FFFF  }
0x24: {  	[dreg:$0x1] =	wrdreg $0xFFFFFFFF  }
0x25: {  	[dreg:$0x0] =	wrdreg $0x60  }
0x26: {  	[dreg:$0x2] =	wrdreg s25  }
0x27: {  	[dreg:$0x3] =	wrdreg s2  }
0x28: {  	[dreg:$0x4] =	wrdreg $0x9  }
0x29: {  	_ =	task.clear_ibuf [dreg:s7], $0x5FFFF;
	_ =	strace $0x90000049  }
0x2a: {  	s29 =	simm.s32 $0x9;
	_ =	strace $0x8000004B  }
0x2b: {  	_ =	swait.ge [sflag:s29], $0x1  }
0x2c: {  	[sflag:s29] =	ssyncadd.s32 $0xFFFFFFFF  }
0x2d: {  	_ =	strace $0x9000004B  }
0x2e: {  	_ =	sfence  }
0x2f: {  	s30 =	sld [smem:$0x0];
	_ =	sdelay $0x2  }
0x30: {  	s31 =	sshll.u32 s1, $0xD;
	s1 =	sshrl.u32 s1, $0x2  }
0x31: {  	s3 =	sand.u32 $0x4000, s31;
	s1 =	sadd.s32 s1, s30  }
0x32: {  	s0 =	sor.u32 s3, s0;
	s1 =	sshll.u32 s1, $0x11  }
0x33: {  	s0 =	sor.u32 s1, s0  }
0x34: {  	s0 =	sadd.s32 $0x8F2B, s0  }
0x35: {  	[sflag:s0] =	ssyncadd.remote.s32 $0x1  }
0x36: {  	_ =	sfence.sel $0xFFFF  }
0x37: {  	[dreg:$0x0] =	wrdreg $0xFFFFFFFF;
	(pc) =	sbr.abs _section_cstart, $3  }
0x38: {  	[dreg:$0x1] =	wrdreg $0xFFFFFFFF  }
0x39: {  	_ =	task.clear_ibuf [dreg:s7], $0x2FFFF;
	_ =	strace $0x9FFFFFFF  }
0x3a: {  	(tm) =	ssettm $0x7FFFFFFF  }
0x3b: {  	_ =	shalt  }
tec
execute0_lowered:
.L_overlay_start_1:
0x0: {  	(tag) =	ssettag $0x1  }
0x1: {  	s0 =	srdreg.scid  }
0x2: {  	s1 =	sshll.u32 s0, $0x4  }
0x3: {  	s6 =	rddreg [dreg:$0x0];
	s0 =	stileid.u32;
	s1 =	sand.u32 $0x10, s1  }
0x4: {  	s3 =	rddreg [dreg:$0x1];
	s1 =	sor.u32 s0, s1  }
0x5: {  	s7 =	simm.s32 $0x1;
	s8 =	simm.s32 $0x2;
	s2 =	sshll.u32 s1, $0x7  }
0x6: {  	s10 =	simm.s32 $0x0;
	s9 =	simm.s32 $0x0;
	s5 =	ssub.s32 $0x100000, s2  }
.Ltmp0:
0x7: {  	s6 =	sadd.s32 $0x102600, s6;
	s4 =	sand.u32 $0xF80, s5;
	(pc) =	sbr.rel .LBB1_1-.Ltmp0, $4  }
0x8: {  	s1 =	rddreg [dreg:$0x2];
	_ =	strace $0x8000004A;
	p0 =	sne.s32 s4, $0x0  }
0x9: {  	s5 =	sshrl.u32 s5, $0xC;
	s4 =	simm.s32 $0x1;
	s7 =	simm.s32 @!p0 $0x0  }
0xa: {  	[sflag:s4] =	ssyncpa.u1 $0x0;
	p0 =	por $0x0, $0x0;
	s5 =	sadd.s32 s7, s5  }
0xb: {  	[sflag:s8] =	ssyncpa.u1 $0x0;
	s8 =	smov.u32 s2;
	s7 =	sadd.s32 $0x1, s5  }
.LBB1_4:
0xc: {  	[tilespmem:s20+$0xFFFFFFFA ss:$0x81] =	vst.msk $0xff, v4  }
0xd: {  	v4 =	vld.msk [tilespmem:s21+$0xFFFFFFF0], $0xff;
	_ =	sdelay $0x3  }
0xe: {  	[tilespmem:s18+$0xFFFFFFFB ss:$0x81] =	vst.msk $0xff, v3  }
0xf: {  	v3 =	vld.msk [tilespmem:s19+$0xFFFFFFF8], $0xff;
	[tilespmem:s20+$0xFFFFFFFB ss:$0x81] =	vst.msk $0xff, v4  }
0x10: {  	v4 =	vld.msk [tilespmem:s21+$0xFFFFFFF8], $0xff;
	_ =	sdelay $0x3  }
0x11: {  	v5 =	vld.msk [tilespmem:s17+$0x0], $0xff;
	[tilespmem:s18+$0xFFFFFFFC ss:$0x81] =	vst.msk $0xff, v3  }
0x12: {  	v3 =	vld.msk [tilespmem:s19+$0x0], $0xff;
	[tilespmem:s20+$0xFFFFFFFC ss:$0x81] =	vst.msk $0xff, v4  }
0x13: {  	v4 =	vld.msk [tilespmem:s21+$0x0], $0xff;
	_ =	sdelay $0x2  }
0x14: {  	[tilespmem:s16+$0xFFFFFFFD ss:$0x81] =	vst.msk $0xff, v5  }
0x15: {  	v5 =	vld.msk [tilespmem:s17+$0x8], $0xff;
	[tilespmem:s18+$0xFFFFFFFD ss:$0x81] =	vst.msk $0xff, v3  }
0x16: {  	v3 =	vld.msk [tilespmem:s19+$0x8], $0xff;
	[tilespmem:s20+$0xFFFFFFFD ss:$0x81] =	vst.msk $0xff, v4  }
0x17: {  	v4 =	vld.msk [tilespmem:s21+$0x8], $0xff;
	_ =	sdelay $0x1  }
0x18: {  	[tilespmem:s14+$0xFFFFFFFE ss:$0x81] =	vst.msk $0xff, v2  }
0x19: {  	v2 =	vld.msk [tilespmem:s15+$0x10], $0xff;
	[tilespmem:s16+$0xFFFFFFFE ss:$0x81] =	vst.msk $0xff, v5  }
0x1a: {  	v5 =	vld.msk [tilespmem:s17+$0x10], $0xff;
	[tilespmem:s18+$0xFFFFFFFE ss:$0x81] =	vst.msk $0xff, v3  }
0x1b: {  	v3 =	vld.msk [tilespmem:s19+$0x10], $0xff;
	[tilespmem:s20+$0xFFFFFFFE ss:$0x81] =	vst.msk $0xff, v4  }
0x1c: {  	v4 =	vld.msk [tilespmem:s21+$0x10], $0xff  }
0x1d: {  	[tilespmem:s12+$0xFFFFFFFF ss:$0x81] =	vst.msk $0xff, v1  }
0x1e: {  	v1 =	vld.msk [tilespmem:s13+$0x18], $0xff;
	[tilespmem:s14+$0xFFFFFFFF ss:$0x81] =	vst.msk $0xff, v2  }
0x1f: {  	v2 =	vld.msk [tilespmem:s15+$0x18], $0xff;
	[tilespmem:s16+$0xFFFFFFFF ss:$0x81] =	vst.msk $0xff, v5  }
0x20: {  	v61 =	vld.msk [tilespmem:s17+$0x18], $0xff;
	[tilespmem:s18+$0xFFFFFFFF ss:$0x81] =	vst.msk $0xff, v3  }
0x21: {  	v62 =	vld.msk [tilespmem:s19+$0x18], $0xff;
	[tilespmem:s20+$0xFFFFFFFF ss:$0x81] =	vst.msk $0xff, v4  }
0x22: {  	[tilespmem:s11+$0x0 ss:$0x81] =	vst.msk $0xff, v0;
	v63 =	vld.msk [tilespmem:s21+$0x18], $0xff  }
0x23: {  	s28 =	sshll.u32 s10, $0x3;
	[tilespmem:s12+$0x0 ss:$0x81] =	vst.msk $0xff, v1  }
0x24: {  	s29 =	sand.u32 $0x78, s10;
	s11 =	sand.u32 $0xFFC00, s28;
	[tilespmem:s14+$0x0 ss:$0x81] =	vst.msk $0xff, v2  }
0x25: {  	s30 =	sand.u32 $0xE0000, s10;
	s11 =	sor.u32 s29, s11;
	[tilespmem:s16+$0x0 ss:$0x81] =	vst.msk $0xff, v61  }
0x26: {  	s11 =	sshrl.u32 s11, $0x3;
	s12 =	sadd.s32 s3, s30;
	[tilespmem:s18+$0x0 ss:$0x81] =	vst.msk $0xff, v62  }
0x27: {  	s31 =	sand.u32 $0x7, s10;
	s11 =	sadd.s32 s11, s12;
	[tilespmem:s20+$0x0 ss:$0x81] =	vst.msk $0xff, v63  }
0x28: {  	[hbm4b:s11+s31] =	stream.linear.scatter [tilespmem:s22], [sflag:$0x2], $0x400, $0x20;
	[tilespmem:$0x1010] =	vst v63  }
.LBB1_5:
0x29: {  	s12 =	sadd.s32 $0x1000, s8  }
0x2a: {  	p2 =	sgt.s32 s12, $0xFFFFF  }
0x2b: {  	s12 =	smov.u32 @p2 s2;
	p2 =	sne.s32 s9, s7  }
.Ltmp1:
0x2c: {  	p1 =	slt.u32 s9, $0x2;
	(pc) =	sbr.rel @!p2 .LBB1_6-.Ltmp1, $4  }
0x2d: {  	s11 =	simm.s32 @!p1 $0x2  }
0x2e: {  	s13 =	sadd.s32 $0x1, s9;
	_ =	swait.ge @!p1 [sflag:s11], $0x400  }
0x2f: {  	s10 =	smov.u32 s8;
	p0 =	por !p0, !p0;
	[sflag:s11] =	ssyncset.done @!p1 $0x0  }
0x30: {  	s9 =	smov.u32 s13;
	s8 =	smov.u32 s12;
	[sflag:s11] =	ssyncadd.s32 @!p1 $0xFFFFFC00  }
.LBB1_1:
0x31: {  	p1 =	sge.u32 s9, s5  }
0x32: {  	s31 =	sadd.s32 $0xFFFFFFFF, s9;
	s11 =	sxor.u32 @!p1 $0xFFFFFFFF, s9;
	s12 =	sshll.u32 @!p1 s8, $0x4  }
0x33: {  	s13 =	simm.s32 @!p1 $0x8;
	s11 =	sshll.u32 @!p1 s11, $0xA;
	s12 =	sand.u32 @!p1 $0xFFFFF0, s12  }
0x34: {  	s14 =	simm.s32 @!p1 $0x80;
	s11 =	sand.u32 @!p1 $0x400, s11;
	s12 =	sadd.s32 @!p1 s6, s12  }
0x35: {  	[tilespmem:s11], [sflag:$0x1] =	stream.strided.gather @!p1 [hbm4b:s12+s13], $0x400, s14, s13, $0x38;
	[tilespmem:$0x1010] =	vst v63  }
0x36: {  	p1 =	sge.u32 s31, s5  }
.Ltmp2:
0x37: {  	_ = 	snop;
	(pc) =	sbr.rel @p1 .LBB1_5-.Ltmp2, $1  }
0x38: {  	_ =	sdelay $0x3  }
0x39: {  	s11 =	simm.s32 $0x1  }
0x3a: {  	_ =	swait.ge [sflag:s4], $0x400;
	s11 =	simm.s32 @!p0 $0x0  }
0x3b: {  	[sflag:s4] =	ssyncset.done $0x0;
	s12 =	sshll.u32 s11, $0xA  }
0x3c: {  	[sflag:s4] =	ssyncadd.s32 $0xFFFFFC00;
	s20 =	sor.u32 $0x20, s12  }
0x3d: {  	v0 =	vld.msk [tilespmem:s20+$0xFFFFFFE0], $0xff  }
0x3e: {  	s11 =	smul.u32 $0x1020, s11;
	_ =	sdelay $0x1  }
0x3f: {  	s11 =	sshrl.u32 s11, $0x2  }
0x40: {  	s11 =	sor.u32 $0x807, s11  }
0x41: {  	[tilespmem:s11+$0xFFFFFFF9 ss:$0x81] =	vst.msk $0xff, v0  }
0x42: {  	v0 =	vld.msk [tilespmem:s20+$0xFFFFFFE8], $0xff  }
0x43: {  	s13 =	sadd.s32 $0x40, s20  }
0x44: {  	v1 =	vld.msk [tilespmem:s13+$0xFFFFFFE0], $0xff;
	_ =	sdelay $0x2  }
0x45: {  	[tilespmem:s11+$0xFFFFFFFA ss:$0x81] =	vst.msk $0xff, v0  }
0x46: {  	s12 =	sadd.s32 $0x8, s11;
	v0 =	vld.msk [tilespmem:s20+$0xFFFFFFF0], $0xff  }
0x47: {  	[tilespmem:s12+$0xFFFFFFF9 ss:$0x81] =	vst.msk $0xff, v1  }
0x48: {  	v1 =	vld.msk [tilespmem:s13+$0xFFFFFFE8], $0xff  }
0x49: {  	s15 =	sadd.s32 $0x40, s13  }
0x4a: {  	v2 =	vld.msk [tilespmem:s15+$0xFFFFFFE0], $0xff  }
0x4b: {  	[tilespmem:s11+$0xFFFFFFFB ss:$0x81] =	vst.msk $0xff, v0  }
0x4c: {  	v0 =	vld.msk [tilespmem:s20+$0xFFFFFFF8], $0xff  }
0x4d: {  	[tilespmem:s12+$0xFFFFFFFA ss:$0x81] =	vst.msk $0xff, v1  }
0x4e: {  	s14 =	sadd.s32 $0x8, s12;
	v1 =	vld.msk [tilespmem:s13+$0xFFFFFFF0], $0xff  }
0x4f: {  	[tilespmem:s14+$0xFFFFFFF9 ss:$0x81] =	vst.msk $0xff, v2  }
0x50: {  	s17 =	sadd.s32 $0x40, s15;
	v2 =	vld.msk [tilespmem:s15+$0xFFFFFFE8], $0xff  }
0x51: {  	[tilespmem:s11+$0xFFFFFFFC ss:$0x81] =	vst.msk $0xff, v0;
	v0 =	vld.msk [tilespmem:s17+$0xFFFFFFE0], $0xff  }
0x52: {  	v3 =	vld.msk [tilespmem:s20+$0x0], $0xff  }
0x53: {  	[tilespmem:s12+$0xFFFFFFFB ss:$0x81] =	vst.msk $0xff, v1  }
0x54: {  	v1 =	vld.msk [tilespmem:s13+$0xFFFFFFF8], $0xff  }
0x55: {  	s16 =	sadd.s32 $0x8, s14;
	[tilespmem:s14+$0xFFFFFFFA ss:$0x81] =	vst.msk $0xff, v2  }
0x56: {  	v2 =	vld.msk [tilespmem:s15+$0xFFFFFFF0], $0xff;
	[tilespmem:s16+$0xFFFFFFF9 ss:$0x81] =	vst.msk $0xff, v0  }
0x57: {  	v0 =	vld.msk [tilespmem:s17+$0xFFFFFFE8], $0xff;
	[tilespmem:s11+$0xFFFFFFFD ss:$0x81] =	vst.msk $0xff, v3  }
0x58: {  	s19 =	sadd.s32 $0x40, s17;
	v3 =	vld.msk [tilespmem:s20+$0x8], $0xff  }
0x59: {  	[tilespmem:s12+$0xFFFFFFFC ss:$0x81] =	vst.msk $0xff, v1;
	v1 =	vld.msk [tilespmem:s19+$0xFFFFFFE0], $0xff  }
0x5a: {  	v4 =	vld.msk [tilespmem:s13+$0x0], $0xff  }
0x5b: {  	[tilespmem:s14+$0xFFFFFFFB ss:$0x81] =	vst.msk $0xff, v2  }
0x5c: {  	v2 =	vld.msk [tilespmem:s15+$0xFFFFFFF8], $0xff;
	[tilespmem:s16+$0xFFFFFFFA ss:$0x81] =	vst.msk $0xff, v0  }
0x5d: {  	s18 =	sadd.s32 $0x8, s16;
	v0 =	vld.msk [tilespmem:s17+$0xFFFFFFF0], $0xff;
	[tilespmem:s11+$0xFFFFFFFE ss:$0x81] =	vst.msk $0xff, v3  }
0x5e: {  	[tilespmem:s18+$0xFFFFFFF9 ss:$0x81] =	vst.msk $0xff, v1;
	v1 =	vld.msk [tilespmem:s20+$0x10], $0xff  }
0x5f: {  	[tilespmem:s12+$0xFFFFFFFD ss:$0x81] =	vst.msk $0xff, v4;
	v3 =	vld.msk [tilespmem:s19+$0xFFFFFFE8], $0xff  }
0x60: {  	s21 =	sadd.s32 $0x40, s19;
	v4 =	vld.msk [tilespmem:s13+$0x8], $0xff  }
0x61: {  	[tilespmem:s14+$0xFFFFFFFC ss:$0x81] =	vst.msk $0xff, v2;
	v2 =	vld.msk [tilespmem:s21+$0xFFFFFFE0], $0xff  }
0x62: {  	v5 =	vld.msk [tilespmem:s15+$0x0], $0xff;
	[tilespmem:s16+$0xFFFFFFFB ss:$0x81] =	vst.msk $0xff, v0  }
0x63: {  	v6 =	vld.msk [tilespmem:s17+$0xFFFFFFF8], $0xff;
	[tilespmem:s11+$0xFFFFFFFF ss:$0x81] =	vst.msk $0xff, v1  }
0x64: {  	s22 =	sand.u32 $0x1, s9;
	[tilespmem:s18+$0xFFFFFFFA ss:$0x81] =	vst.msk $0xff, v3;
	v0 =	vld.msk [tilespmem:s20+$0x18], $0xff  }
0x65: {  	s22 =	smul.u32 $0x1020, s22;
	[tilespmem:s12+$0xFFFFFFFE ss:$0x81] =	vst.msk $0xff, v4;
	v3 =	vld.msk [tilespmem:s19+$0xFFFFFFF0], $0xff;
	s20 =	sadd.s32 $0x8, s18  }
0x66: {  	v1 =	vld.msk [tilespmem:s13+$0x10], $0xff;
	[tilespmem:s20+$0xFFFFFFF9 ss:$0x81] =	vst.msk $0xff, v2  }
0x67: {  	s22 =	sshrl.u32 s22, $0x2;
	[tilespmem:s14+$0xFFFFFFFD ss:$0x81] =	vst.msk $0xff, v5;
	v4 =	vld.msk [tilespmem:s21+$0xFFFFFFE8], $0xff  }
0x68: {  	s23 =	simm.s32 $0x28;
	s22 =	sor.u32 $0x800, s22;
	s24 =	sadd.s32 $0x40, s21;
	v2 =	vld.msk [tilespmem:s15+$0x8], $0xff;
	[tilespmem:s16+$0xFFFFFFFC ss:$0x81] =	vst.msk $0xff, v6  }
.LBB1_3:
0x69: {  	v5 =	vld.msk [tilespmem:s24+$0xFFFFFFE0], $0xff;
	[tilespmem:s11+$0x0 ss:$0x81] =	vst.msk $0xff, v0;
	s11 =	smov.u32 s12;
	s12 =	smov.u32 s14;
	s14 =	smov.u32 s16  }
0x6a: {  	s23 =	sadd.s32 $0x8, s23;
	s16 =	smov.u32 s18;
	[tilespmem:s18+$0xFFFFFFFB ss:$0x81] =	vst.msk $0xff, v3;
	v6 =	vld.msk [tilespmem:s17+$0x0], $0xff;
	s18 =	smov.u32 s20  }
0x6b: {  	p1 =	slt.u32 s23, $0x78;
	v7 =	vld.msk [tilespmem:s19+$0xFFFFFFF8], $0xff;
	[tilespmem:s11+$0xFFFFFFFF ss:$0x81] =	vst.msk $0xff, v1  }
.Ltmp3:
0x6c: {  	[tilespmem:s20+$0xFFFFFFFA ss:$0x81] =	vst.msk $0xff, v4;
	v0 =	vld.msk [tilespmem:s13+$0x18], $0xff;
	s13 =	smov.u32 s15;
	s15 =	smov.u32 s17;
	(pc) =	sbr.rel @p1 .LBB1_3-.Ltmp3, $4  }
0x6d: {  	s20 =	sadd.s32 $0x8, s20;
	s17 =	smov.u32 s19;
	s19 =	smov.u32 s21;
	v3 =	vld.msk [tilespmem:s21+$0xFFFFFFF0], $0xff;
	[tilespmem:s12+$0xFFFFFFFE ss:$0x81] =	vst.msk $0xff, v2  }
0x6e: {  	s21 =	smov.u32 s24;
	[tilespmem:s20+$0xFFFFFFF9 ss:$0x81] =	vst.msk $0xff, v5;
	v1 =	vld.msk [tilespmem:s13+$0x10], $0xff  }
0x6f: {  	v4 =	vld.msk [tilespmem:s24+$0xFFFFFFE8], $0xff;
	[tilespmem:s14+$0xFFFFFFFD ss:$0x81] =	vst.msk $0xff, v6  }
0x70: {  	s24 =	sadd.s32 $0x40, s24;
	[tilespmem:s16+$0xFFFFFFFC ss:$0x81] =	vst.msk $0xff, v7;
	v2 =	vld.msk [tilespmem:s15+$0x8], $0xff  }
.Ltmp4:
0x71: {  	_ = 	snop;
	(pc) =	sbr.rel .LBB1_4-.Ltmp4, $1  }
0x72: {  	_ =	sdelay $0x3  }
.LBB1_6:
0x73: {  	_ =	sfence.sel $0x180000  }
0x74: {  	s2 =	simm.s32 $0x1;
	[bflag:$0x0] =	sbarrier.arrive $0xFFFF  }
0x75: {  	s31 =	simm.s32 $0x2;
	[sflag:s2] =	ssyncpa.u1 $0x1  }
0x76: {  	[sflag:s31] =	ssyncpa.u1 $0x1  }
0x77: {  	p0 =	sne.s32 s0, $0x0;
	_ =	strace $0x9000004A  }
0x78: {  	s0 =	sadd.s32 @!p0 $0x100000, s1;
	[bflag:$0x2] =	sbarrier.arrive $0xFFFF  }
0x79: {  	[sflag:s0] =	ssyncadd.tile.s32 @!p0 $0x1;
	_ =	shalt  }
.Lfunc_end1:
_tile_overlayer_lowered:
.L_overlay_start_2:
0x7a: {  	(tag) =	ssettag $0x2  }
0x7b: {  	s0 =	rddreg [dreg:$0x0];
	s2 =	stileid.u32  }
0x7c: {  	s1 =	rddreg [dreg:$0x1];
	p0 =	sne.s32 s2, $0x0  }
0x7d: {  	s3 =	rddreg [dreg:$0x2];
	[bflag:$0x3] =	sbarrier.arrive $0xFFFF;
	s2 =	simm.s32 @!p0 $0x1C01  }
0x7e: {  	[timem:s3], [sflag:s2] =	dma.local @!p0 [hbm:s0], s1  }
0x7f: {  	s0 =	simm.s32 @!p0 $0x1  }
0x80: {  	_ =	swait.ge @!p0 [sflag:s0], s1  }
0x81: {  	s1 =	ssub.s32 @!p0 $0x0, s1;
	[sflag:s0] =	ssyncset.done @!p0 $0x0  }
0x82: {  	[sflag:s0] =	ssyncadd.s32 @!p0 s1  }
0x83: {  	[bflag:$0x3] =	sbarrier.arrive $0xFFFF  }
0x84: {  	_ =	shalt  }

</sc_bundles>
